<compile_context>
chip_gen: v7x
topology: tpu7x:2x2x1
jax: 0.10.2.dev20260603
libtpu: 0.0.44.dev20260713+nightly
codegen_flags: <defaults>
</compile_context>

<pallas_src>
import functools

import jax
import jax.numpy as jnp
from jax import lax
from jax.experimental import pallas as pl
from jax.experimental.pallas import tpu as pltpu
from jax.experimental.pallas import tpu_sc as plsc

N = 10000
E = 320000
D = 128
HH = 128
HD = HH // 2

NC = 2
NS = 16
NW = NC * NS
LN = 16

NP = 10240
CH = 128
EPS = 20480
NCH_S = EPS // CH
EPT = 10240
NCH_W = EPT // CH
EP = NW * EPT
RPT = NP // NS

BS = 1024
GRID = NP // BS

_mesh = plsc.VectorSubcoreMesh(core_axis_name="c", subcore_axis_name="s")


@functools.partial(
    pl.kernel,
    out_type=jax.ShapeDtypeStruct((NW, NP), jnp.float32),
    mesh=_mesh,
    compiler_params=pltpu.CompilerParams(needs_layout_passes=False),
    scratch_types=[
        pltpu.VMEM((NCH_W, CH), jnp.int32),
        pltpu.VMEM((NP,), jnp.float32),
    ],
)
def _deg_kernel(col_hbm, out_hbm, col_v, hist_v):
    cid = lax.axis_index("c")
    sid = lax.axis_index("s")
    wid = cid * NS + sid
    pltpu.sync_copy(col_hbm.at[wid], col_v)

    def zero_body(i, carry):
        hist_v[pl.ds(i * LN, LN)] = jnp.zeros((LN,), jnp.float32)
        return carry

    lax.fori_loop(0, NP // LN, zero_body, 0)

    ones = jnp.ones((LN,), jnp.float32)

    def body(j, carry):
        for k in range(CH // LN):
            plsc.addupdate_scatter(hist_v, [col_v[j, pl.ds(k * LN, LN)]], ones)
        return carry

    lax.fori_loop(0, NCH_W, body, 0)
    pltpu.sync_copy(hist_v, out_hbm.at[wid])


@functools.partial(
    pl.kernel,
    out_type=jax.ShapeDtypeStruct((NC, NP, HD), jnp.float32),
    mesh=_mesh,
    compiler_params=pltpu.CompilerParams(
        needs_layout_passes=False, use_tc_tiling_on_sc=False),
    scratch_types=[
        pltpu.VMEM((NCH_S, CH), jnp.int32),
        pltpu.VMEM((NCH_S, CH), jnp.int32),
        pltpu.VMEM((4, CH, HD), jnp.float32),
        pltpu.VMEM_SHARED((NP, HD), jnp.float32),
        pltpu.SemaphoreType.DMA,
        pltpu.SemaphoreType.DMA,
    ],
)
def _msg_kernel(g_hbm, row_hbm, col_hbm, out_hbm, row_v, col_v, rows_v, acc_sh,
                gsem, ssem):
    cid = lax.axis_index("c")
    sid = lax.axis_index("s")
    gc = g_hbm.at[cid]
    pltpu.sync_copy(row_hbm.at[sid], row_v)
    pltpu.sync_copy(col_hbm.at[sid], col_v)

    def zero_body(i, carry):
        for k in range(HD // LN):
            rows_v[0, i, pl.ds(k * LN, LN)] = jnp.zeros((LN,), jnp.float32)
        return carry

    lax.fori_loop(0, CH, zero_body, 0)

    def init_body(r, carry):
        pltpu.sync_copy(rows_v.at[0], acc_sh.at[pl.ds(sid * RPT + r * CH, CH)])
        return carry

    lax.fori_loop(0, RPT // CH, init_body, 0)
    plsc.subcore_barrier()

    def body(j, carry):
        @pl.when(j < NCH_S)
        def _():
            @pl.when(j >= 4)
            def _():
                jd = j - 4
                pltpu.make_async_copy(
                    rows_v.at[jd % 4], acc_sh.at[col_v.at[jd]], ssem).wait()

            pltpu.async_copy(gc.at[row_v.at[j]], rows_v.at[j % 4], gsem)

        @pl.when(j > 0)
        def _():
            jp = j - 1
            pltpu.make_async_copy(
                gc.at[row_v.at[jp]], rows_v.at[jp % 4], gsem).wait()
            pltpu.async_copy(rows_v.at[jp % 4], acc_sh.at[col_v.at[jp]], ssem,
                             add=True)

        return carry

    lax.fori_loop(0, NCH_S + 1, body, 0)

    def drain_body(t, carry):
        jd = NCH_S - 4 + t
        pltpu.make_async_copy(
            rows_v.at[jd % 4], acc_sh.at[col_v.at[jd]], ssem).wait()
        return carry

    lax.fori_loop(0, 4, drain_body, 0)
    plsc.subcore_barrier()

    def wb_body(r, carry):
        s = sid * RPT + r * CH
        pltpu.sync_copy(acc_sh.at[pl.ds(s, CH)], out_hbm.at[cid, pl.ds(s, CH)])
        return carry

    lax.fori_loop(0, RPT // CH, wb_body, 0)


@functools.partial(
    pl.kernel,
    out_type=jax.ShapeDtypeStruct((NW, NP), jnp.float32),
    mesh=_mesh,
    compiler_params=pltpu.CompilerParams(needs_layout_passes=False),
    scratch_types=[
        pltpu.VMEM((NCH_W, CH), jnp.int32),
        pltpu.VMEM((NCH_W, CH), jnp.int32),
        pltpu.VMEM((NP,), jnp.float32),
        pltpu.VMEM((NP,), jnp.float32),
    ],
)
def _scalar_kernel(g2_hbm, row_hbm, col_hbm, out_hbm, row_v, col_v, g2_v, acc_v):
    cid = lax.axis_index("c")
    sid = lax.axis_index("s")
    wid = cid * NS + sid
    pltpu.sync_copy(row_hbm.at[wid], row_v)
    pltpu.sync_copy(col_hbm.at[wid], col_v)
    pltpu.sync_copy(g2_hbm, g2_v)

    def zero_body(i, carry):
        acc_v[pl.ds(i * LN, LN)] = jnp.zeros((LN,), jnp.float32)
        return carry

    lax.fori_loop(0, NP // LN, zero_body, 0)

    def body(j, carry):
        for k in range(CH // LN):
            vals = plsc.load_gather(g2_v, [row_v[j, pl.ds(k * LN, LN)]])
            plsc.addupdate_scatter(acc_v, [col_v[j, pl.ds(k * LN, LN)]], vals)
        return carry

    lax.fori_loop(0, NCH_W, body, 0)
    pltpu.sync_copy(acc_v, out_hbm.at[wid])


def _lin1_body(x_ref, w1_ref, hist_ref, g2c_ref, dis_ref):
    deg = jnp.sum(hist_ref[...], axis=1, keepdims=True) + 1.0
    dis = lax.rsqrt(deg)
    h = lax.dot_general(
        x_ref[...], w1_ref[...], (((1,), (1,)), ((), ())),
        preferred_element_type=jnp.float32,
    )
    g = dis * h
    g2c_ref[0] = g[:, :HD]
    g2c_ref[1] = g[:, HD:]
    dis_ref[...] = dis


_lin1 = pl.pallas_call(
    _lin1_body,
    grid=(GRID,),
    in_specs=[
        pl.BlockSpec((BS, D), lambda i: (i, 0)),
        pl.BlockSpec((HH, D), lambda i: (0, 0)),
        pl.BlockSpec((BS, NW), lambda i: (i, 0)),
    ],
    out_specs=[
        pl.BlockSpec((NC, BS, HD), lambda i: (0, i, 0)),
        pl.BlockSpec((BS, 1), lambda i: (i, 0)),
    ],
    out_shape=[
        jax.ShapeDtypeStruct((NC, NP, HD), jnp.float32),
        jax.ShapeDtypeStruct((NP, 1), jnp.float32),
    ],
)


def _lin2_body(accl_ref, accr_ref, gl_ref, gr_ref, dis_ref, b1_ref, w2_ref,
               g2_ref):
    dis = dis_ref[...]
    outl = dis * (accl_ref[...] + gl_ref[...]) + b1_ref[:, :HD]
    outr = dis * (accr_ref[...] + gr_ref[...]) + b1_ref[:, HD:]
    outl = jnp.maximum(outl, 0.0)
    outr = jnp.maximum(outr, 0.0)
    z = (jnp.sum(outl * w2_ref[:, :HD], axis=1, keepdims=True)
         + jnp.sum(outr * w2_ref[:, HD:], axis=1, keepdims=True))
    g2_ref[...] = dis * z


_lin2 = pl.pallas_call(
    _lin2_body,
    grid=(GRID,),
    in_specs=[
        pl.BlockSpec((BS, HD), lambda i: (i, 0)),
        pl.BlockSpec((BS, HD), lambda i: (i, 0)),
        pl.BlockSpec((BS, HD), lambda i: (i, 0)),
        pl.BlockSpec((BS, HD), lambda i: (i, 0)),
        pl.BlockSpec((BS, 1), lambda i: (i, 0)),
        pl.BlockSpec((1, HH), lambda i: (0, 0)),
        pl.BlockSpec((1, HH), lambda i: (0, 0)),
    ],
    out_specs=pl.BlockSpec((BS, 1), lambda i: (i, 0)),
    out_shape=jax.ShapeDtypeStruct((NP, 1), jnp.float32),
)


def _final_body(part_ref, g2_ref, dis_ref, b2_ref, out_ref):
    acc = jnp.sum(part_ref[...], axis=1, keepdims=True)
    out_ref[...] = dis_ref[...] * (acc + g2_ref[...]) + b2_ref[...]


_final = pl.pallas_call(
    _final_body,
    grid=(GRID,),
    in_specs=[
        pl.BlockSpec((BS, NW), lambda i: (i, 0)),
        pl.BlockSpec((BS, 1), lambda i: (i, 0)),
        pl.BlockSpec((BS, 1), lambda i: (i, 0)),
        pl.BlockSpec((1, 1), lambda i: (0, 0)),
    ],
    out_specs=pl.BlockSpec((BS, 1), lambda i: (i, 0)),
    out_shape=jax.ShapeDtypeStruct((NP, 1), jnp.float32),
)


def kernel(x, edge_index, W1, b1, W2, b2):
    row = edge_index[0].astype(jnp.int32)
    col = edge_index[1].astype(jnp.int32)
    pad = EP - E
    pad_iota = jnp.arange(pad, dtype=jnp.int32)
    row_p = jnp.concatenate([row, pad_iota % N])
    col_p = jnp.concatenate([col, N + pad_iota % (NP - N)])
    row3w = row_p.reshape(NW, NCH_W, CH)
    col3w = col_p.reshape(NW, NCH_W, CH)
    row3s = row_p.reshape(NS, NCH_S, CH)
    col3s = col_p.reshape(NS, NCH_S, CH)

    x_p = jnp.pad(x, ((0, NP - N), (0, 0)))

    hist = _deg_kernel(col3w)
    g2c, dis = _lin1(x_p, W1, hist.T)
    acc = _msg_kernel(g2c, row3s, col3s)
    g2 = _lin2(acc[0], acc[1], g2c[0], g2c[1], dis,
               b1.reshape(1, HH), W2.reshape(1, HH))
    part2 = _scalar_kernel(g2.reshape(NP), row3w, col3w)
    out = _final(part2.T, g2, dis, b2.reshape(1, 1))
    return out.reshape(-1)[:N]

# --- scband reference (transcript-rebuilt; emitter-appended) ---
"""Pipeline reference for scband-gcnreg-1563368096536 (READ-ONLY COPY).

The authoritative reference and input builder live on the scoring server;
editing this copy changes nothing except your own understanding.
"""

import jax, jax.numpy as jnp
import numpy as np

N = 10000
E = 320000
D = 128
H = 128

def setup_inputs(seed: int = 0):
    key = jax.random.key(seed)
    k1, k2, k3, k4 = jax.random.split(key, 4)
    x = jax.random.normal(k1, (N, D), dtype=jnp.float32)
    edge_index = jax.random.randint(k2, (2, E), 0, N)
    s1 = 1.0 / np.sqrt(D)
    W1 = jax.random.uniform(k3, (H, D), minval=-s1, maxval=s1, dtype=jnp.float32)
    b1 = jnp.zeros((H,), dtype=jnp.float32)
    s2 = 1.0 / np.sqrt(H)
    W2 = jax.random.uniform(k4, (1, H), minval=-s2, maxval=s2, dtype=jnp.float32)
    b2 = jnp.zeros((1,), dtype=jnp.float32)
    return {"x": x, "edge_index": edge_index, "W1": W1, "b1": b1, "W2": W2, "b2": b2}

def _gcn_conv(x, edge_index, W, b):
    # Faithful PyG GCNConv: linear -> add self-loops -> sym-normalized propagate -> bias
    n = x.shape[0]
    loop = jnp.arange(n, dtype=edge_index.dtype)
    row = jnp.concatenate([edge_index[0], loop])
    col = jnp.concatenate([edge_index[1], loop])
    deg = jax.ops.segment_sum(jnp.ones(row.shape[0], dtype=x.dtype), col, num_segments=n)
    deg_inv_sqrt = jnp.where(deg > 0, jax.lax.rsqrt(jnp.maximum(deg, 1e-12)), 0.0)
    norm = deg_inv_sqrt[row] * deg_inv_sqrt[col]
    h = x @ W.T
    msg = norm[:, None] * jnp.take(h, row, axis=0)
    out = jax.ops.segment_sum(msg, col, num_segments=n)
    return out + b

def reference(x, edge_index, W1, b1, W2, b2):
    h = jax.nn.relu(_gcn_conv(x, edge_index, W1, b1))
    # dropout p=0.0 is a no-op
    out = _gcn_conv(h, edge_index, W2, b2)
    return out.reshape(-1)

if __name__ == "__main__":
    import jax
    _d = setup_inputs()
    print(jax.jit(kernel)(*tuple(_d.values())))

</pallas_src>

<mosaic_0001>
#map = affine_map<(d0, d1) -> (0, 0, 0)>
module attributes {stable_mosaic.version = 14 : i64} {
  func.func @_msg_kernel(%arg0: i32, %arg1: i32, %arg2: memref<2x10240x64xf32, #tpu.memory_space<hbm>>, %arg3: memref<16x160x128xi32, #tpu.memory_space<hbm>>, %arg4: memref<16x160x128xi32, #tpu.memory_space<hbm>>, %arg5: memref<2x10240x64xf32, #tpu.memory_space<hbm>>, %arg6: memref<160x128xi32, #tpu.memory_space<vmem>>, %arg7: memref<160x128xi32, #tpu.memory_space<vmem>>, %arg8: memref<4x128x64xf32, #tpu.memory_space<vmem>>, %arg9: memref<10240x64xf32, #tpu.memory_space<vmem_shared>>, %arg10: memref<!tpu.dma_semaphore, #tpu.memory_space<semaphore_mem>>, %arg11: memref<!tpu.dma_semaphore, #tpu.memory_space<semaphore_mem>>) attributes {dimension_semantics = [#tpu.dimension_semantics<core_parallel>, #tpu.dimension_semantics<subcore_parallel>], iteration_bounds = array<i64: 2, 16>, scalar_prefetch = 0 : i64, scratch_operands = 6 : i64, tpu.core_type = #tpu.core_type<sc_vector_subcore>, window_params = [{transform_indices = #map}, {transform_indices = #map}, {transform_indices = #map}, {transform_indices = #map}]} {
    "tpu.region"() ({
      %run_scoped3A = tpu.sem_alloc : memref<!tpu.dma_semaphore, #tpu.memory_space<semaphore_mem>>
      %dma_start3A = arith.constant 0 : i32
      %dma_start3A_30 = arith.constant 0 : i32
      %dma_start3A_31 = tpu.memref_slice %arg3[%arg1, %dma_start3A, %dma_start3A_30] : memref<16x160x128xi32, #tpu.memory_space<hbm>> -> memref<1x160x128xi32, #tpu.memory_space<hbm>>
      %dma_start3A_32 = tpu.memref_squeeze %dma_start3A_31 : memref<1x160x128xi32, #tpu.memory_space<hbm>> -> memref<160x128xi32, #tpu.memory_space<hbm>>
      %dma_start3A_33 = arith.constant 0 : i32
      %dma_start3A_34 = arith.constant 0 : i32
      %dma_start3A_35 = tpu.memref_slice %arg3[%arg1, %dma_start3A_33, %dma_start3A_34] : memref<16x160x128xi32, #tpu.memory_space<hbm>> -> memref<1x160x128xi32, #tpu.memory_space<hbm>>
      %dma_start3A_36 = tpu.memref_squeeze %dma_start3A_35 : memref<1x160x128xi32, #tpu.memory_space<hbm>> -> memref<160x128xi32, #tpu.memory_space<hbm>>
      tpu.enqueue_dma source(%dma_start3A_36 : memref<160x128xi32, #tpu.memory_space<hbm>>) target(%arg6 : memref<160x128xi32, #tpu.memory_space<vmem>>) target_semaphore(%run_scoped3A : memref<!tpu.dma_semaphore, #tpu.memory_space<semaphore_mem>>)
      %dma_wait3A = arith.constant 0 : i32
      %dma_wait3A_37 = arith.constant 0 : i32
      %dma_wait3A_38 = tpu.memref_slice %arg3[%arg1, %dma_wait3A, %dma_wait3A_37] : memref<16x160x128xi32, #tpu.memory_space<hbm>> -> memref<1x160x128xi32, #tpu.memory_space<hbm>>
      %dma_wait3A_39 = tpu.memref_squeeze %dma_wait3A_38 : memref<1x160x128xi32, #tpu.memory_space<hbm>> -> memref<160x128xi32, #tpu.memory_space<hbm>>
      %dma_wait3A_40 = arith.constant 0 : i32
      %dma_wait3A_41 = arith.constant 0 : i32
      %dma_wait3A_42 = tpu.memref_slice %arg3[%arg1, %dma_wait3A_40, %dma_wait3A_41] : memref<16x160x128xi32, #tpu.memory_space<hbm>> -> memref<1x160x128xi32, #tpu.memory_space<hbm>>
      %dma_wait3A_43 = tpu.memref_squeeze %dma_wait3A_42 : memref<1x160x128xi32, #tpu.memory_space<hbm>> -> memref<160x128xi32, #tpu.memory_space<hbm>>
      tpu.wait_dma2 semaphore(%run_scoped3A : memref<!tpu.dma_semaphore, #tpu.memory_space<semaphore_mem>>) src(%dma_wait3A_43 : memref<160x128xi32, #tpu.memory_space<hbm>>) dst(%arg6 : memref<160x128xi32, #tpu.memory_space<vmem>>)
      tpu.yield
    }) : () -> ()
    "tpu.region"() ({
      %run_scoped3A = tpu.sem_alloc : memref<!tpu.dma_semaphore, #tpu.memory_space<semaphore_mem>>
      %dma_start3A = arith.constant 0 : i32
      %dma_start3A_30 = arith.constant 0 : i32
      %dma_start3A_31 = tpu.memref_slice %arg4[%arg1, %dma_start3A, %dma_start3A_30] : memref<16x160x128xi32, #tpu.memory_space<hbm>> -> memref<1x160x128xi32, #tpu.memory_space<hbm>>
      %dma_start3A_32 = tpu.memref_squeeze %dma_start3A_31 : memref<1x160x128xi32, #tpu.memory_space<hbm>> -> memref<160x128xi32, #tpu.memory_space<hbm>>
      %dma_start3A_33 = arith.constant 0 : i32
      %dma_start3A_34 = arith.constant 0 : i32
      %dma_start3A_35 = tpu.memref_slice %arg4[%arg1, %dma_start3A_33, %dma_start3A_34] : memref<16x160x128xi32, #tpu.memory_space<hbm>> -> memref<1x160x128xi32, #tpu.memory_space<hbm>>
      %dma_start3A_36 = tpu.memref_squeeze %dma_start3A_35 : memref<1x160x128xi32, #tpu.memory_space<hbm>> -> memref<160x128xi32, #tpu.memory_space<hbm>>
      tpu.enqueue_dma source(%dma_start3A_36 : memref<160x128xi32, #tpu.memory_space<hbm>>) target(%arg7 : memref<160x128xi32, #tpu.memory_space<vmem>>) target_semaphore(%run_scoped3A : memref<!tpu.dma_semaphore, #tpu.memory_space<semaphore_mem>>)
      %dma_wait3A = arith.constant 0 : i32
      %dma_wait3A_37 = arith.constant 0 : i32
      %dma_wait3A_38 = tpu.memref_slice %arg4[%arg1, %dma_wait3A, %dma_wait3A_37] : memref<16x160x128xi32, #tpu.memory_space<hbm>> -> memref<1x160x128xi32, #tpu.memory_space<hbm>>
      %dma_wait3A_39 = tpu.memref_squeeze %dma_wait3A_38 : memref<1x160x128xi32, #tpu.memory_space<hbm>> -> memref<160x128xi32, #tpu.memory_space<hbm>>
      %dma_wait3A_40 = arith.constant 0 : i32
      %dma_wait3A_41 = arith.constant 0 : i32
      %dma_wait3A_42 = tpu.memref_slice %arg4[%arg1, %dma_wait3A_40, %dma_wait3A_41] : memref<16x160x128xi32, #tpu.memory_space<hbm>> -> memref<1x160x128xi32, #tpu.memory_space<hbm>>
      %dma_wait3A_43 = tpu.memref_squeeze %dma_wait3A_42 : memref<1x160x128xi32, #tpu.memory_space<hbm>> -> memref<160x128xi32, #tpu.memory_space<hbm>>
      tpu.wait_dma2 semaphore(%run_scoped3A : memref<!tpu.dma_semaphore, #tpu.memory_space<semaphore_mem>>) src(%dma_wait3A_43 : memref<160x128xi32, #tpu.memory_space<hbm>>) dst(%arg7 : memref<160x128xi32, #tpu.memory_space<vmem>>)
      tpu.yield
    }) : () -> ()
    %scan3A = arith.constant 0 : i32
    %scan3A_0 = arith.constant 0 : i32
    %scan3A_1 = arith.constant 128 : i32
    %scan3A_2 = arith.addi %scan3A_0, %scan3A_1 : i32
    %scan3A_3 = arith.constant 1 : i32
    scf.for %scan3A_30 = %scan3A_0 to %scan3A_2 step %scan3A_3  : i32 {
      %broadcast_in_dim3A = arith.constant 0.000000e+00 : f32
      %broadcast_in_dim3A_31 = vector.broadcast %broadcast_in_dim3A : f32 to vector<16xf32>
      %swap3A = arith.constant 0 : i32
      %swap3A_32 = arith.index_cast %swap3A : i32 to index
      %swap3A_33 = arith.index_cast %scan3A_30 : i32 to index
      %swap3A_34 = arith.constant 0 : index
      %swap3A_35 = tpu.vector_load %arg8[%swap3A_32, %swap3A_33, %swap3A_34] {strides = array<i32>} : memref<4x128x64xf32, #tpu.memory_space<vmem>>, vector<16xf32>,
      tpu.vector_store %arg8[%swap3A_32, %swap3A_33, %swap3A_34], %broadcast_in_dim3A_31 {strides = array<i32>} : memref<4x128x64xf32, #tpu.memory_space<vmem>>, vector<16xf32>,
      %broadcast_in_dim3A_36 = arith.constant 0.000000e+00 : f32
      %broadcast_in_dim3A_37 = vector.broadcast %broadcast_in_dim3A_36 : f32 to vector<16xf32>
      %swap3A_38 = arith.constant 0 : i32
      %swap3A_39 = arith.index_cast %swap3A_38 : i32 to index
      %swap3A_40 = arith.index_cast %scan3A_30 : i32 to index
      %swap3A_41 = arith.constant 16 : index
      %swap3A_42 = tpu.vector_load %arg8[%swap3A_39, %swap3A_40, %swap3A_41] {strides = array<i32>} : memref<4x128x64xf32, #tpu.memory_space<vmem>>, vector<16xf32>,
      tpu.vector_store %arg8[%swap3A_39, %swap3A_40, %swap3A_41], %broadcast_in_dim3A_37 {strides = array<i32>} : memref<4x128x64xf32, #tpu.memory_space<vmem>>, vector<16xf32>,
      %broadcast_in_dim3A_43 = arith.constant 0.000000e+00 : f32
      %broadcast_in_dim3A_44 = vector.broadcast %broadcast_in_dim3A_43 : f32 to vector<16xf32>
      %swap3A_45 = arith.constant 0 : i32
      %swap3A_46 = arith.index_cast %swap3A_45 : i32 to index
      %swap3A_47 = arith.index_cast %scan3A_30 : i32 to index
      %swap3A_48 = arith.constant 32 : index
      %swap3A_49 = tpu.vector_load %arg8[%swap3A_46, %swap3A_47, %swap3A_48] {strides = array<i32>} : memref<4x128x64xf32, #tpu.memory_space<vmem>>, vector<16xf32>,
      tpu.vector_store %arg8[%swap3A_46, %swap3A_47, %swap3A_48], %broadcast_in_dim3A_44 {strides = array<i32>} : memref<4x128x64xf32, #tpu.memory_space<vmem>>, vector<16xf32>,
      %broadcast_in_dim3A_50 = arith.constant 0.000000e+00 : f32
      %broadcast_in_dim3A_51 = vector.broadcast %broadcast_in_dim3A_50 : f32 to vector<16xf32>
      %swap3A_52 = arith.constant 0 : i32
      %swap3A_53 = arith.index_cast %swap3A_52 : i32 to index
      %swap3A_54 = arith.index_cast %scan3A_30 : i32 to index
      %swap3A_55 = arith.constant 48 : index
      %swap3A_56 = tpu.vector_load %arg8[%swap3A_53, %swap3A_54, %swap3A_55] {strides = array<i32>} : memref<4x128x64xf32, #tpu.memory_space<vmem>>, vector<16xf32>,
      tpu.vector_store %arg8[%swap3A_53, %swap3A_54, %swap3A_55], %broadcast_in_dim3A_51 {strides = array<i32>} : memref<4x128x64xf32, #tpu.memory_space<vmem>>, vector<16xf32>,
    }
    %scan3A_4 = arith.constant 128 : i32
    %scan3A_5 = arith.constant 0 : i32
    %scan3A_6 = arith.constant 0 : i32
    %scan3A_7 = arith.constant 5 : i32
    %scan3A_8 = arith.addi %scan3A_6, %scan3A_7 : i32
    %scan3A_9 = arith.constant 1 : i32
    scf.for %scan3A_30 = %scan3A_6 to %scan3A_8 step %scan3A_9  : i32 {
      %mul3A = arith.constant 640 : i32
      %mul3A_31 = arith.muli %arg1, %mul3A : i32
      %mul3A_32 = arith.constant 128 : i32
      %mul3A_33 = arith.muli %scan3A_30, %mul3A_32 : i32
      %add3A = arith.addi %mul3A_31, %mul3A_33 : i32
      %run_scoped3A = arith.constant 0 : i32
      "tpu.region"() ({
        %run_scoped3A_34 = tpu.sem_alloc : memref<!tpu.dma_semaphore, #tpu.memory_space<semaphore_mem>>
        %dma_start3A = arith.constant 0 : i32
        %dma_start3A_35 = arith.constant 0 : i32
        %dma_start3A_36 = tpu.memref_slice %arg8[%run_scoped3A, %dma_start3A, %dma_start3A_35] : memref<4x128x64xf32, #tpu.memory_space<vmem>> -> memref<1x128x64xf32, #tpu.memory_space<vmem>>
        %dma_start3A_37 = tpu.memref_squeeze %dma_start3A_36 : memref<1x128x64xf32, #tpu.memory_space<vmem>> -> memref<128x64xf32, #tpu.memory_space<vmem>>
        %dma_start3A_38 = arith.constant 0 : i32
        %dma_start3A_39 = tpu.memref_slice %arg9[%add3A, %dma_start3A_38] : memref<10240x64xf32, #tpu.memory_space<vmem_shared>> -> memref<128x64xf32, #tpu.memory_space<vmem_shared>>
        %dma_start3A_40 = arith.constant 0 : i32
        %dma_start3A_41 = tpu.memref_slice %arg9[%add3A, %dma_start3A_40] : memref<10240x64xf32, #tpu.memory_space<vmem_shared>> -> memref<128x64xf32, #tpu.memory_space<vmem_shared>>
        %dma_start3A_42 = arith.constant 0 : i32
        %dma_start3A_43 = arith.constant 0 : i32
        %dma_start3A_44 = tpu.memref_slice %arg8[%run_scoped3A, %dma_start3A_42, %dma_start3A_43] : memref<4x128x64xf32, #tpu.memory_space<vmem>> -> memref<1x128x64xf32, #tpu.memory_space<vmem>>
        %dma_start3A_45 = tpu.memref_squeeze %dma_start3A_44 : memref<1x128x64xf32, #tpu.memory_space<vmem>> -> memref<128x64xf32, #tpu.memory_space<vmem>>
        tpu.enqueue_dma source(%dma_start3A_45 : memref<128x64xf32, #tpu.memory_space<vmem>>) target(%dma_start3A_41 : memref<128x64xf32, #tpu.memory_space<vmem_shared>>) target_semaphore(%run_scoped3A_34 : memref<!tpu.dma_semaphore, #tpu.memory_space<semaphore_mem>>)
        %dma_wait3A = arith.constant 0 : i32
        %dma_wait3A_46 = arith.constant 0 : i32
        %dma_wait3A_47 = tpu.memref_slice %arg8[%run_scoped3A, %dma_wait3A, %dma_wait3A_46] : memref<4x128x64xf32, #tpu.memory_space<vmem>> -> memref<1x128x64xf32, #tpu.memory_space<vmem>>
        %dma_wait3A_48 = tpu.memref_squeeze %dma_wait3A_47 : memref<1x128x64xf32, #tpu.memory_space<vmem>> -> memref<128x64xf32, #tpu.memory_space<vmem>>
        %dma_wait3A_49 = arith.constant 0 : i32
        %dma_wait3A_50 = tpu.memref_slice %arg9[%add3A, %dma_wait3A_49] : memref<10240x64xf32, #tpu.memory_space<vmem_shared>> -> memref<128x64xf32, #tpu.memory_space<vmem_shared>>
        %dma_wait3A_51 = arith.constant 0 : i32
        %dma_wait3A_52 = tpu.memref_slice %arg9[%add3A, %dma_wait3A_51] : memref<10240x64xf32, #tpu.memory_space<vmem_shared>> -> memref<128x64xf32, #tpu.memory_space<vmem_shared>>
        %dma_wait3A_53 = arith.constant 0 : i32
        %dma_wait3A_54 = arith.constant 0 : i32
        %dma_wait3A_55 = tpu.memref_slice %arg8[%run_scoped3A, %dma_wait3A_53, %dma_wait3A_54] : memref<4x128x64xf32, #tpu.memory_space<vmem>> -> memref<1x128x64xf32, #tpu.memory_space<vmem>>
        %dma_wait3A_56 = tpu.memref_squeeze %dma_wait3A_55 : memref<1x128x64xf32, #tpu.memory_space<vmem>> -> memref<128x64xf32, #tpu.memory_space<vmem>>
        tpu.wait_dma2 semaphore(%run_scoped3A_34 : memref<!tpu.dma_semaphore, #tpu.memory_space<semaphore_mem>>) src(%dma_wait3A_56 : memref<128x64xf32, #tpu.memory_space<vmem>>) dst(%dma_wait3A_52 : memref<128x64xf32, #tpu.memory_space<vmem_shared>>)
        tpu.yield
      }) : () -> ()
    }
    %scan3A_10 = arith.constant 5 : i32
    %barrier3A = arith.constant 0 : index
    tpu.barrier barrier_id(%barrier3A)
    %scan3A_11 = arith.constant 0 : i32
    %scan3A_12 = arith.constant 0 : i32
    %scan3A_13 = arith.constant 161 : i32
    %scan3A_14 = arith.addi %scan3A_12, %scan3A_13 : i32
    %scan3A_15 = arith.constant 1 : i32
    scf.for %scan3A_30 = %scan3A_12 to %scan3A_14 step %scan3A_15  : i32 {
      %lt3A = arith.constant 160 : i32
      %lt3A_31 = arith.cmpi slt, %scan3A_30, %lt3A : i32
      %convert_element_type3A = arith.extui %lt3A_31 : i1 to i32
      %cond3A = arith.constant 0 : i32
      %cond3A_32 = arith.cmpi ne, %convert_element_type3A, %cond3A : i32
      scf.if %cond3A_32 {
        %ge3A = arith.constant 4 : i32
        %ge3A_37 = arith.cmpi sge, %scan3A_30, %ge3A : i32
        %convert_element_type3A_38 = arith.extui %ge3A_37 : i1 to i32
        %cond3A_39 = arith.constant 0 : i32
        %cond3A_40 = arith.cmpi ne, %convert_element_type3A_38, %cond3A_39 : i32
        scf.if %cond3A_40 {
          %sub3A = arith.constant 4 : i32
          %sub3A_63 = arith.subi %scan3A_30, %sub3A : i32
          %jit3A_64 = arith.constant 4 : i32
          %eq3A_65 = arith.constant 0 : i32
          %eq3A_66 = arith.cmpi eq, %jit3A_64, %eq3A_65 : i32
          %jit3A_67 = arith.constant 1 : i32
          %select_n3A_68 = arith.select %eq3A_66, %jit3A_67, %jit3A_64 : i32
          %rem3A_69 = arith.remsi %sub3A_63, %select_n3A_68 : i32
          %ne3A_70 = arith.constant 0 : i32
          %ne3A_71 = arith.cmpi ne, %rem3A_69, %ne3A_70 : i32
          %lt3A_72 = arith.constant 0 : i32
          %lt3A_73 = arith.cmpi slt, %rem3A_69, %lt3A_72 : i32
          %lt3A_74 = arith.constant 0 : i32
          %lt3A_75 = arith.cmpi slt, %select_n3A_68, %lt3A_74 : i32
          %ne3A_76 = arith.xori %lt3A_73, %lt3A_75 : i1
          %and3A_77 = arith.andi %ne3A_76, %ne3A_71 : i1
          %add3A_78 = arith.addi %rem3A_69, %select_n3A_68 : i32
          %select_n3A_79 = arith.select %and3A_77, %add3A_78, %rem3A_69 : i32
          %dma_wait3A = arith.constant 0 : i32
          %dma_wait3A_80 = arith.constant 0 : i32
          %dma_wait3A_81 = tpu.memref_slice %arg8[%select_n3A_79, %dma_wait3A, %dma_wait3A_80] : memref<4x128x64xf32, #tpu.memory_space<vmem>> -> memref<1x128x64xf32, #tpu.memory_space<vmem>>
          %dma_wait3A_82 = tpu.memref_squeeze %dma_wait3A_81 : memref<1x128x64xf32, #tpu.memory_space<vmem>> -> memref<128x64xf32, #tpu.memory_space<vmem>>
          %dma_wait3A_83 = arith.constant 0 : i32
          %dma_wait3A_84 = tpu.memref_slice %arg7[%sub3A_63, %dma_wait3A_83] : memref<160x128xi32, #tpu.memory_space<vmem>> -> memref<1x128xi32, #tpu.memory_space<vmem>>
          %dma_wait3A_85 = tpu.memref_squeeze %dma_wait3A_84 : memref<1x128xi32, #tpu.memory_space<vmem>> -> memref<128xi32, #tpu.memory_space<vmem>>
          %dma_wait3A_86 = arith.constant 0 : i32
          %dma_wait3A_87 = arith.constant 0 : i32
          %dma_wait3A_88 = tpu.memref_slice %arg9[%dma_wait3A_86, %dma_wait3A_87] : memref<10240x64xf32, #tpu.memory_space<vmem_shared>> -> memref<10240x64xf32, #tpu.memory_space<vmem_shared>>
          tpu.wait_indirect_dma semaphore(%arg11 : memref<!tpu.dma_semaphore, #tpu.memory_space<semaphore_mem>>) src(%dma_wait3A_82 : memref<128x64xf32, #tpu.memory_space<vmem>>) dst(%dma_wait3A_88 : memref<10240x64xf32, #tpu.memory_space<vmem_shared>>)
        } else {
        }
        %jit3A = arith.constant 4 : i32
        %eq3A = arith.constant 0 : i32
        %eq3A_41 = arith.cmpi eq, %jit3A, %eq3A : i32
        %jit3A_42 = arith.constant 1 : i32
        %select_n3A = arith.select %eq3A_41, %jit3A_42, %jit3A : i32
        %rem3A = arith.remsi %scan3A_30, %select_n3A : i32
        %ne3A = arith.constant 0 : i32
        %ne3A_43 = arith.cmpi ne, %rem3A, %ne3A : i32
        %lt3A_44 = arith.constant 0 : i32
        %lt3A_45 = arith.cmpi slt, %rem3A, %lt3A_44 : i32
        %lt3A_46 = arith.constant 0 : i32
        %lt3A_47 = arith.cmpi slt, %select_n3A, %lt3A_46 : i32
        %ne3A_48 = arith.xori %lt3A_45, %lt3A_47 : i1
        %and3A = arith.andi %ne3A_48, %ne3A_43 : i1
        %add3A = arith.addi %rem3A, %select_n3A : i32
        %select_n3A_49 = arith.select %and3A, %add3A, %rem3A : i32
        %dma_start3A = arith.constant 0 : i32
        %dma_start3A_50 = arith.constant 0 : i32
        %dma_start3A_51 = tpu.memref_slice %arg8[%select_n3A_49, %dma_start3A, %dma_start3A_50] : memref<4x128x64xf32, #tpu.memory_space<vmem>> -> memref<1x128x64xf32, #tpu.memory_space<vmem>>
        %dma_start3A_52 = tpu.memref_squeeze %dma_start3A_51 : memref<1x128x64xf32, #tpu.memory_space<vmem>> -> memref<128x64xf32, #tpu.memory_space<vmem>>
        %dma_start3A_53 = arith.constant 0 : i32
        %dma_start3A_54 = tpu.memref_slice %arg6[%scan3A_30, %dma_start3A_53] : memref<160x128xi32, #tpu.memory_space<vmem>> -> memref<1x128xi32, #tpu.memory_space<vmem>>
        %dma_start3A_55 = tpu.memref_squeeze %dma_start3A_54 : memref<1x128xi32, #tpu.memory_space<vmem>> -> memref<128xi32, #tpu.memory_space<vmem>>
        %dma_start3A_56 = arith.constant 0 : i32
        %dma_start3A_57 = arith.constant 0 : i32
        %dma_start3A_58 = tpu.memref_slice %arg2[%arg0, %dma_start3A_56, %dma_start3A_57] : memref<2x10240x64xf32, #tpu.memory_space<hbm>> -> memref<1x10240x64xf32, #tpu.memory_space<hbm>>
        %dma_start3A_59 = tpu.memref_squeeze %dma_start3A_58 : memref<1x10240x64xf32, #tpu.memory_space<hbm>> -> memref<10240x64xf32, #tpu.memory_space<hbm>>
        %dma_start3A_60 = arith.constant 0 : i32
        %dma_start3A_61 = arith.constant 0 : i32
        %dma_start3A_62 = tpu.memref_slice %dma_start3A_59[%dma_start3A_60, %dma_start3A_61] : memref<10240x64xf32, #tpu.memory_space<hbm>> -> memref<10240x64xf32, #tpu.memory_space<hbm>>
        tpu.enqueue_indirect_dma source(%dma_start3A_62 : memref<10240x64xf32, #tpu.memory_space<hbm>>) target(%dma_start3A_52 : memref<128x64xf32, #tpu.memory_space<vmem>>) offsets(%dma_start3A_55 : memref<128xi32, #tpu.memory_space<vmem>>) semaphore(%arg10 : memref<!tpu.dma_semaphore, #tpu.memory_space<semaphore_mem>>)
      } else {
      }
      %gt3A = arith.constant 0 : i32
      %gt3A_33 = arith.cmpi sgt, %scan3A_30, %gt3A : i32
      %convert_element_type3A_34 = arith.extui %gt3A_33 : i1 to i32
      %cond3A_35 = arith.constant 0 : i32
      %cond3A_36 = arith.cmpi ne, %convert_element_type3A_34, %cond3A_35 : i32
      scf.if %cond3A_36 {
        %sub3A = arith.constant 1 : i32
        %sub3A_37 = arith.subi %scan3A_30, %sub3A : i32
        %jit3A = arith.constant 4 : i32
        %eq3A = arith.constant 0 : i32
        %eq3A_38 = arith.cmpi eq, %jit3A, %eq3A : i32
        %jit3A_39 = arith.constant 1 : i32
        %select_n3A = arith.select %eq3A_38, %jit3A_39, %jit3A : i32
        %rem3A = arith.remsi %sub3A_37, %select_n3A : i32
        %ne3A = arith.constant 0 : i32
        %ne3A_40 = arith.cmpi ne, %rem3A, %ne3A : i32
        %lt3A_41 = arith.constant 0 : i32
        %lt3A_42 = arith.cmpi slt, %rem3A, %lt3A_41 : i32
        %lt3A_43 = arith.constant 0 : i32
        %lt3A_44 = arith.cmpi slt, %select_n3A, %lt3A_43 : i32
        %ne3A_45 = arith.xori %lt3A_42, %lt3A_44 : i1
        %and3A = arith.andi %ne3A_45, %ne3A_40 : i1
        %add3A = arith.addi %rem3A, %select_n3A : i32
        %select_n3A_46 = arith.select %and3A, %add3A, %rem3A : i32
        %dma_wait3A = arith.constant 0 : i32
        %dma_wait3A_47 = arith.constant 0 : i32
        %dma_wait3A_48 = tpu.memref_slice %arg8[%select_n3A_46, %dma_wait3A, %dma_wait3A_47] : memref<4x128x64xf32, #tpu.memory_space<vmem>> -> memref<1x128x64xf32, #tpu.memory_space<vmem>>
        %dma_wait3A_49 = tpu.memref_squeeze %dma_wait3A_48 : memref<1x128x64xf32, #tpu.memory_space<vmem>> -> memref<128x64xf32, #tpu.memory_space<vmem>>
        %dma_wait3A_50 = arith.constant 0 : i32
        %dma_wait3A_51 = tpu.memref_slice %arg6[%sub3A_37, %dma_wait3A_50] : memref<160x128xi32, #tpu.memory_space<vmem>> -> memref<1x128xi32, #tpu.memory_space<vmem>>
        %dma_wait3A_52 = tpu.memref_squeeze %dma_wait3A_51 : memref<1x128xi32, #tpu.memory_space<vmem>> -> memref<128xi32, #tpu.memory_space<vmem>>
        %dma_wait3A_53 = arith.constant 0 : i32
        %dma_wait3A_54 = arith.constant 0 : i32
        %dma_wait3A_55 = tpu.memref_slice %arg2[%arg0, %dma_wait3A_53, %dma_wait3A_54] : memref<2x10240x64xf32, #tpu.memory_space<hbm>> -> memref<1x10240x64xf32, #tpu.memory_space<hbm>>
        %dma_wait3A_56 = tpu.memref_squeeze %dma_wait3A_55 : memref<1x10240x64xf32, #tpu.memory_space<hbm>> -> memref<10240x64xf32, #tpu.memory_space<hbm>>
        %dma_wait3A_57 = arith.constant 0 : i32
        %dma_wait3A_58 = arith.constant 0 : i32
        %dma_wait3A_59 = tpu.memref_slice %dma_wait3A_56[%dma_wait3A_57, %dma_wait3A_58] : memref<10240x64xf32, #tpu.memory_space<hbm>> -> memref<10240x64xf32, #tpu.memory_space<hbm>>
        tpu.wait_indirect_dma semaphore(%arg10 : memref<!tpu.dma_semaphore, #tpu.memory_space<semaphore_mem>>) src(%dma_wait3A_59 : memref<10240x64xf32, #tpu.memory_space<hbm>>) dst(%dma_wait3A_49 : memref<128x64xf32, #tpu.memory_space<vmem>>)
        %jit3A_60 = arith.constant 4 : i32
        %eq3A_61 = arith.constant 0 : i32
        %eq3A_62 = arith.cmpi eq, %jit3A_60, %eq3A_61 : i32
        %jit3A_63 = arith.constant 1 : i32
        %select_n3A_64 = arith.select %eq3A_62, %jit3A_63, %jit3A_60 : i32
        %rem3A_65 = arith.remsi %sub3A_37, %select_n3A_64 : i32
        %ne3A_66 = arith.constant 0 : i32
        %ne3A_67 = arith.cmpi ne, %rem3A_65, %ne3A_66 : i32
        %lt3A_68 = arith.constant 0 : i32
        %lt3A_69 = arith.cmpi slt, %rem3A_65, %lt3A_68 : i32
        %lt3A_70 = arith.constant 0 : i32
        %lt3A_71 = arith.cmpi slt, %select_n3A_64, %lt3A_70 : i32
        %ne3A_72 = arith.xori %lt3A_69, %lt3A_71 : i1
        %and3A_73 = arith.andi %ne3A_72, %ne3A_67 : i1
        %add3A_74 = arith.addi %rem3A_65, %select_n3A_64 : i32
        %select_n3A_75 = arith.select %and3A_73, %add3A_74, %rem3A_65 : i32
        %dma_start3A = arith.constant 0 : i32
        %dma_start3A_76 = arith.constant 0 : i32
        %dma_start3A_77 = tpu.memref_slice %arg8[%select_n3A_75, %dma_start3A, %dma_start3A_76] : memref<4x128x64xf32, #tpu.memory_space<vmem>> -> memref<1x128x64xf32, #tpu.memory_space<vmem>>
        %dma_start3A_78 = tpu.memref_squeeze %dma_start3A_77 : memref<1x128x64xf32, #tpu.memory_space<vmem>> -> memref<128x64xf32, #tpu.memory_space<vmem>>
        %dma_start3A_79 = arith.constant 0 : i32
        %dma_start3A_80 = tpu.memref_slice %arg7[%sub3A_37, %dma_start3A_79] : memref<160x128xi32, #tpu.memory_space<vmem>> -> memref<1x128xi32, #tpu.memory_space<vmem>>
        %dma_start3A_81 = tpu.memref_squeeze %dma_start3A_80 : memref<1x128xi32, #tpu.memory_space<vmem>> -> memref<128xi32, #tpu.memory_space<vmem>>
        %dma_start3A_82 = arith.constant 0 : i32
        %dma_start3A_83 = arith.constant 0 : i32
        %dma_start3A_84 = tpu.memref_slice %arg9[%dma_start3A_82, %dma_start3A_83] : memref<10240x64xf32, #tpu.memory_space<vmem_shared>> -> memref<10240x64xf32, #tpu.memory_space<vmem_shared>>
        tpu.enqueue_indirect_dma source(%dma_start3A_78 : memref<128x64xf32, #tpu.memory_space<vmem>>) target(%dma_start3A_84 : memref<10240x64xf32, #tpu.memory_space<vmem_shared>>) offsets(%dma_start3A_81 : memref<128xi32, #tpu.memory_space<vmem>>) semaphore(%arg11 : memref<!tpu.dma_semaphore, #tpu.memory_space<semaphore_mem>>) {add = true}
      } else {
      }
    }
    %scan3A_16 = arith.constant 161 : i32
    %scan3A_17 = arith.constant 0 : i32
    %scan3A_18 = arith.constant 0 : i32
    %scan3A_19 = arith.constant 4 : i32
    %scan3A_20 = arith.addi %scan3A_18, %scan3A_19 : i32
    %scan3A_21 = arith.constant 1 : i32
    scf.for %scan3A_30 = %scan3A_18 to %scan3A_20 step %scan3A_21  : i32 {
      %add3A = arith.constant 156 : i32
      %add3A_31 = arith.addi %add3A, %scan3A_30 : i32
      %jit3A = arith.constant 4 : i32
      %eq3A = arith.constant 0 : i32
      %eq3A_32 = arith.cmpi eq, %jit3A, %eq3A : i32
      %jit3A_33 = arith.constant 1 : i32
      %select_n3A = arith.select %eq3A_32, %jit3A_33, %jit3A : i32
      %rem3A = arith.remsi %add3A_31, %select_n3A : i32
      %ne3A = arith.constant 0 : i32
      %ne3A_34 = arith.cmpi ne, %rem3A, %ne3A : i32
      %lt3A = arith.constant 0 : i32
      %lt3A_35 = arith.cmpi slt, %rem3A, %lt3A : i32
      %lt3A_36 = arith.constant 0 : i32
      %lt3A_37 = arith.cmpi slt, %select_n3A, %lt3A_36 : i32
      %ne3A_38 = arith.xori %lt3A_35, %lt3A_37 : i1
      %and3A = arith.andi %ne3A_38, %ne3A_34 : i1
      %add3A_39 = arith.addi %rem3A, %select_n3A : i32
      %select_n3A_40 = arith.select %and3A, %add3A_39, %rem3A : i32
      %dma_wait3A = arith.constant 0 : i32
      %dma_wait3A_41 = arith.constant 0 : i32
      %dma_wait3A_42 = tpu.memref_slice %arg8[%select_n3A_40, %dma_wait3A, %dma_wait3A_41] : memref<4x128x64xf32, #tpu.memory_space<vmem>> -> memref<1x128x64xf32, #tpu.memory_space<vmem>>
      %dma_wait3A_43 = tpu.memref_squeeze %dma_wait3A_42 : memref<1x128x64xf32, #tpu.memory_space<vmem>> -> memref<128x64xf32, #tpu.memory_space<vmem>>
      %dma_wait3A_44 = arith.constant 0 : i32
      %dma_wait3A_45 = tpu.memref_slice %arg7[%add3A_31, %dma_wait3A_44] : memref<160x128xi32, #tpu.memory_space<vmem>> -> memref<1x128xi32, #tpu.memory_space<vmem>>
      %dma_wait3A_46 = tpu.memref_squeeze %dma_wait3A_45 : memref<1x128xi32, #tpu.memory_space<vmem>> -> memref<128xi32, #tpu.memory_space<vmem>>
      %dma_wait3A_47 = arith.constant 0 : i32
      %dma_wait3A_48 = arith.constant 0 : i32
      %dma_wait3A_49 = tpu.memref_slice %arg9[%dma_wait3A_47, %dma_wait3A_48] : memref<10240x64xf32, #tpu.memory_space<vmem_shared>> -> memref<10240x64xf32, #tpu.memory_space<vmem_shared>>
      tpu.wait_indirect_dma semaphore(%arg11 : memref<!tpu.dma_semaphore, #tpu.memory_space<semaphore_mem>>) src(%dma_wait3A_43 : memref<128x64xf32, #tpu.memory_space<vmem>>) dst(%dma_wait3A_49 : memref<10240x64xf32, #tpu.memory_space<vmem_shared>>)
    }
    %scan3A_22 = arith.constant 4 : i32
    %barrier3A_23 = arith.constant 0 : index
    tpu.barrier barrier_id(%barrier3A_23)
    %scan3A_24 = arith.constant 0 : i32
    %scan3A_25 = arith.constant 0 : i32
    %scan3A_26 = arith.constant 5 : i32
    %scan3A_27 = arith.addi %scan3A_25, %scan3A_26 : i32
    %scan3A_28 = arith.constant 1 : i32
    scf.for %scan3A_30 = %scan3A_25 to %scan3A_27 step %scan3A_28  : i32 {
      %mul3A = arith.constant 640 : i32
      %mul3A_31 = arith.muli %arg1, %mul3A : i32
      %mul3A_32 = arith.constant 128 : i32
      %mul3A_33 = arith.muli %scan3A_30, %mul3A_32 : i32
      %add3A = arith.addi %mul3A_31, %mul3A_33 : i32
      "tpu.region"() ({
        %run_scoped3A = tpu.sem_alloc : memref<!tpu.dma_semaphore, #tpu.memory_space<semaphore_mem>>
        %dma_start3A = arith.constant 0 : i32
        %dma_start3A_34 = tpu.memref_slice %arg5[%arg0, %add3A, %dma_start3A] : memref<2x10240x64xf32, #tpu.memory_space<hbm>> -> memref<1x128x64xf32, #tpu.memory_space<hbm>>
        %dma_start3A_35 = tpu.memref_squeeze %dma_start3A_34 : memref<1x128x64xf32, #tpu.memory_space<hbm>> -> memref<128x64xf32, #tpu.memory_space<hbm>>
        %dma_start3A_36 = arith.constant 0 : i32
        %dma_start3A_37 = tpu.memref_slice %arg9[%add3A, %dma_start3A_36] : memref<10240x64xf32, #tpu.memory_space<vmem_shared>> -> memref<128x64xf32, #tpu.memory_space<vmem_shared>>
        tpu.enqueue_dma source(%dma_start3A_37 : memref<128x64xf32, #tpu.memory_space<vmem_shared>>) target(%dma_start3A_35 : memref<128x64xf32, #tpu.memory_space<hbm>>) target_semaphore(%run_scoped3A : memref<!tpu.dma_semaphore, #tpu.memory_space<semaphore_mem>>)
        %dma_wait3A = arith.constant 0 : i32
        %dma_wait3A_38 = tpu.memref_slice %arg5[%arg0, %add3A, %dma_wait3A] : memref<2x10240x64xf32, #tpu.memory_space<hbm>> -> memref<1x128x64xf32, #tpu.memory_space<hbm>>
        %dma_wait3A_39 = tpu.memref_squeeze %dma_wait3A_38 : memref<1x128x64xf32, #tpu.memory_space<hbm>> -> memref<128x64xf32, #tpu.memory_space<hbm>>
        %dma_wait3A_40 = arith.constant 0 : i32
        %dma_wait3A_41 = tpu.memref_slice %arg9[%add3A, %dma_wait3A_40] : memref<10240x64xf32, #tpu.memory_space<vmem_shared>> -> memref<128x64xf32, #tpu.memory_space<vmem_shared>>
        tpu.wait_dma2 semaphore(%run_scoped3A : memref<!tpu.dma_semaphore, #tpu.memory_space<semaphore_mem>>) src(%dma_wait3A_41 : memref<128x64xf32, #tpu.memory_space<vmem_shared>>) dst(%dma_wait3A_39 : memref<128x64xf32, #tpu.memory_space<hbm>>)
        tpu.yield
      }) : () -> ()
    }
    %scan3A_29 = arith.constant 5 : i32
    return
  }
}

#map = affine_map<(d0, d1) -> (0)>
#map1 = affine_map<(d0, d1) -> (0, 0, 0)>
#map2 = affine_map<(d0, d1) -> (0, 0)>
module attributes {stable_mosaic.version = 14 : i64} {
  func.func @_scalar_kernel(%arg0: i32, %arg1: i32, %arg2: memref<10240xf32, #tpu.memory_space<hbm>>, %arg3: memref<32x80x128xi32, #tpu.memory_space<hbm>>, %arg4: memref<32x80x128xi32, #tpu.memory_space<hbm>>, %arg5: memref<32x10240xf32, #tpu.memory_space<hbm>>, %arg6: memref<80x128xi32, #tpu.memory_space<vmem>>, %arg7: memref<80x128xi32, #tpu.memory_space<vmem>>, %arg8: memref<10240xf32, #tpu.memory_space<vmem>>, %arg9: memref<10240xf32, #tpu.memory_space<vmem>>) attributes {dimension_semantics = [#tpu.dimension_semantics<core_parallel>, #tpu.dimension_semantics<subcore_parallel>], iteration_bounds = array<i64: 2, 16>, scalar_prefetch = 0 : i64, scratch_operands = 4 : i64, tpu.core_type = #tpu.core_type<sc_vector_subcore>, window_params = [{transform_indices = #map}, {transform_indices = #map1}, {transform_indices = #map1}, {transform_indices = #map2}]} {
    %mul3A = arith.constant 16 : i32
    %mul3A_0 = arith.muli %arg0, %mul3A : i32
    %add3A = arith.addi %mul3A_0, %arg1 : i32
    "tpu.region"() ({
      %run_scoped3A = tpu.sem_alloc : memref<!tpu.dma_semaphore, #tpu.memory_space<semaphore_mem>>
      %dma_start3A = arith.constant 0 : i32
      %dma_start3A_12 = arith.constant 0 : i32
      %dma_start3A_13 = tpu.memref_slice %arg3[%add3A, %dma_start3A, %dma_start3A_12] : memref<32x80x128xi32, #tpu.memory_space<hbm>> -> memref<1x80x128xi32, #tpu.memory_space<hbm>>
      %dma_start3A_14 = tpu.memref_squeeze %dma_start3A_13 : memref<1x80x128xi32, #tpu.memory_space<hbm>> -> memref<80x128xi32, #tpu.memory_space<hbm>>
      %dma_start3A_15 = arith.constant 0 : i32
      %dma_start3A_16 = arith.constant 0 : i32
      %dma_start3A_17 = tpu.memref_slice %arg3[%add3A, %dma_start3A_15, %dma_start3A_16] : memref<32x80x128xi32, #tpu.memory_space<hbm>> -> memref<1x80x128xi32, #tpu.memory_space<hbm>>
      %dma_start3A_18 = tpu.memref_squeeze %dma_start3A_17 : memref<1x80x128xi32, #tpu.memory_space<hbm>> -> memref<80x128xi32, #tpu.memory_space<hbm>>
      tpu.enqueue_dma source(%dma_start3A_18 : memref<80x128xi32, #tpu.memory_space<hbm>>) target(%arg6 : memref<80x128xi32, #tpu.memory_space<vmem>>) target_semaphore(%run_scoped3A : memref<!tpu.dma_semaphore, #tpu.memory_space<semaphore_mem>>)
      %dma_wait3A = arith.constant 0 : i32
      %dma_wait3A_19 = arith.constant 0 : i32
      %dma_wait3A_20 = tpu.memref_slice %arg3[%add3A, %dma_wait3A, %dma_wait3A_19] : memref<32x80x128xi32, #tpu.memory_space<hbm>> -> memref<1x80x128xi32, #tpu.memory_space<hbm>>
      %dma_wait3A_21 = tpu.memref_squeeze %dma_wait3A_20 : memref<1x80x128xi32, #tpu.memory_space<hbm>> -> memref<80x128xi32, #tpu.memory_space<hbm>>
      %dma_wait3A_22 = arith.constant 0 : i32
      %dma_wait3A_23 = arith.constant 0 : i32
      %dma_wait3A_24 = tpu.memref_slice %arg3[%add3A, %dma_wait3A_22, %dma_wait3A_23] : memref<32x80x128xi32, #tpu.memory_space<hbm>> -> memref<1x80x128xi32, #tpu.memory_space<hbm>>
      %dma_wait3A_25 = tpu.memref_squeeze %dma_wait3A_24 : memref<1x80x128xi32, #tpu.memory_space<hbm>> -> memref<80x128xi32, #tpu.memory_space<hbm>>
      tpu.wait_dma2 semaphore(%run_scoped3A : memref<!tpu.dma_semaphore, #tpu.memory_space<semaphore_mem>>) src(%dma_wait3A_25 : memref<80x128xi32, #tpu.memory_space<hbm>>) dst(%arg6 : memref<80x128xi32, #tpu.memory_space<vmem>>)
      tpu.yield
    }) : () -> ()
    "tpu.region"() ({
      %run_scoped3A = tpu.sem_alloc : memref<!tpu.dma_semaphore, #tpu.memory_space<semaphore_mem>>
      %dma_start3A = arith.constant 0 : i32
      %dma_start3A_12 = arith.constant 0 : i32
      %dma_start3A_13 = tpu.memref_slice %arg4[%add3A, %dma_start3A, %dma_start3A_12] : memref<32x80x128xi32, #tpu.memory_space<hbm>> -> memref<1x80x128xi32, #tpu.memory_space<hbm>>
      %dma_start3A_14 = tpu.memref_squeeze %dma_start3A_13 : memref<1x80x128xi32, #tpu.memory_space<hbm>> -> memref<80x128xi32, #tpu.memory_space<hbm>>
      %dma_start3A_15 = arith.constant 0 : i32
      %dma_start3A_16 = arith.constant 0 : i32
      %dma_start3A_17 = tpu.memref_slice %arg4[%add3A, %dma_start3A_15, %dma_start3A_16] : memref<32x80x128xi32, #tpu.memory_space<hbm>> -> memref<1x80x128xi32, #tpu.memory_space<hbm>>
      %dma_start3A_18 = tpu.memref_squeeze %dma_start3A_17 : memref<1x80x128xi32, #tpu.memory_space<hbm>> -> memref<80x128xi32, #tpu.memory_space<hbm>>
      tpu.enqueue_dma source(%dma_start3A_18 : memref<80x128xi32, #tpu.memory_space<hbm>>) target(%arg7 : memref<80x128xi32, #tpu.memory_space<vmem>>) target_semaphore(%run_scoped3A : memref<!tpu.dma_semaphore, #tpu.memory_space<semaphore_mem>>)
      %dma_wait3A = arith.constant 0 : i32
      %dma_wait3A_19 = arith.constant 0 : i32
      %dma_wait3A_20 = tpu.memref_slice %arg4[%add3A, %dma_wait3A, %dma_wait3A_19] : memref<32x80x128xi32, #tpu.memory_space<hbm>> -> memref<1x80x128xi32, #tpu.memory_space<hbm>>
      %dma_wait3A_21 = tpu.memref_squeeze %dma_wait3A_20 : memref<1x80x128xi32, #tpu.memory_space<hbm>> -> memref<80x128xi32, #tpu.memory_space<hbm>>
      %dma_wait3A_22 = arith.constant 0 : i32
      %dma_wait3A_23 = arith.constant 0 : i32
      %dma_wait3A_24 = tpu.memref_slice %arg4[%add3A, %dma_wait3A_22, %dma_wait3A_23] : memref<32x80x128xi32, #tpu.memory_space<hbm>> -> memref<1x80x128xi32, #tpu.memory_space<hbm>>
      %dma_wait3A_25 = tpu.memref_squeeze %dma_wait3A_24 : memref<1x80x128xi32, #tpu.memory_space<hbm>> -> memref<80x128xi32, #tpu.memory_space<hbm>>
      tpu.wait_dma2 semaphore(%run_scoped3A : memref<!tpu.dma_semaphore, #tpu.memory_space<semaphore_mem>>) src(%dma_wait3A_25 : memref<80x128xi32, #tpu.memory_space<hbm>>) dst(%arg7 : memref<80x128xi32, #tpu.memory_space<vmem>>)
      tpu.yield
    }) : () -> ()
    "tpu.region"() ({
      %run_scoped3A = tpu.sem_alloc : memref<!tpu.dma_semaphore, #tpu.memory_space<semaphore_mem>>
      tpu.enqueue_dma source(%arg2 : memref<10240xf32, #tpu.memory_space<hbm>>) target(%arg8 : memref<10240xf32, #tpu.memory_space<vmem>>) target_semaphore(%run_scoped3A : memref<!tpu.dma_semaphore, #tpu.memory_space<semaphore_mem>>)
      tpu.wait_dma2 semaphore(%run_scoped3A : memref<!tpu.dma_semaphore, #tpu.memory_space<semaphore_mem>>) src(%arg2 : memref<10240xf32, #tpu.memory_space<hbm>>) dst(%arg8 : memref<10240xf32, #tpu.memory_space<vmem>>)
      tpu.yield
    }) : () -> ()
    %scan3A = arith.constant 0 : i32
    %scan3A_1 = arith.constant 0 : i32
    %scan3A_2 = arith.constant 640 : i32
    %scan3A_3 = arith.addi %scan3A_1, %scan3A_2 : i32
    %scan3A_4 = arith.constant 1 : i32
    scf.for %scan3A_12 = %scan3A_1 to %scan3A_3 step %scan3A_4  : i32 {
      %broadcast_in_dim3A = arith.constant 0.000000e+00 : f32
      %broadcast_in_dim3A_13 = vector.broadcast %broadcast_in_dim3A : f32 to vector<16xf32>
      %mul3A_14 = arith.constant 16 : i32
      %mul3A_15 = arith.muli %scan3A_12, %mul3A_14 : i32
      %swap3A = arith.index_cast %mul3A_15 : i32 to index
      %swap3A_16 = tpu.vector_load %arg9[%swap3A] {strides = array<i32>} : memref<10240xf32, #tpu.memory_space<vmem>>, vector<16xf32>,
      tpu.vector_store %arg9[%swap3A], %broadcast_in_dim3A_13 {strides = array<i32>} : memref<10240xf32, #tpu.memory_space<vmem>>, vector<16xf32>,
    }
    %scan3A_5 = arith.constant 640 : i32
    %scan3A_6 = arith.constant 0 : i32
    %scan3A_7 = arith.constant 0 : i32
    %scan3A_8 = arith.constant 80 : i32
    %scan3A_9 = arith.addi %scan3A_7, %scan3A_8 : i32
    %scan3A_10 = arith.constant 1 : i32
    scf.for %scan3A_12 = %scan3A_7 to %scan3A_9 step %scan3A_10  : i32 {
      %get3A = arith.index_cast %scan3A_12 : i32 to index
      %get3A_13 = arith.constant 0 : index
      %get3A_14 = tpu.vector_load %arg6[%get3A, %get3A_13] {strides = array<i32>} : memref<80x128xi32, #tpu.memory_space<vmem>>, vector<16xi32>,
      %gather3A = tpu.vector_load_idx %arg8[%get3A_14] : memref<10240xf32, #tpu.memory_space<vmem>>[vector<16xi32>], vector<16xf32>,
      %get3A_15 = arith.index_cast %scan3A_12 : i32 to index
      %get3A_16 = arith.constant 0 : index
      %get3A_17 = tpu.vector_load %arg7[%get3A_15, %get3A_16] {strides = array<i32>} : memref<80x128xi32, #tpu.memory_space<vmem>>, vector<16xi32>,
      tpu.vector_store_idx %arg9[%get3A_17], %gather3A {add = true} : memref<10240xf32, #tpu.memory_space<vmem>>[vector<16xi32>], vector<16xf32>,
      %get3A_18 = arith.index_cast %scan3A_12 : i32 to index
      %get3A_19 = arith.constant 16 : index
      %get3A_20 = tpu.vector_load %arg6[%get3A_18, %get3A_19] {strides = array<i32>} : memref<80x128xi32, #tpu.memory_space<vmem>>, vector<16xi32>,
      %gather3A_21 = tpu.vector_load_idx %arg8[%get3A_20] : memref<10240xf32, #tpu.memory_space<vmem>>[vector<16xi32>], vector<16xf32>,
      %get3A_22 = arith.index_cast %scan3A_12 : i32 to index
      %get3A_23 = arith.constant 16 : index
      %get3A_24 = tpu.vector_load %arg7[%get3A_22, %get3A_23] {strides = array<i32>} : memref<80x128xi32, #tpu.memory_space<vmem>>, vector<16xi32>,
      tpu.vector_store_idx %arg9[%get3A_24], %gather3A_21 {add = true} : memref<10240xf32, #tpu.memory_space<vmem>>[vector<16xi32>], vector<16xf32>,
      %get3A_25 = arith.index_cast %scan3A_12 : i32 to index
      %get3A_26 = arith.constant 32 : index
      %get3A_27 = tpu.vector_load %arg6[%get3A_25, %get3A_26] {strides = array<i32>} : memref<80x128xi32, #tpu.memory_space<vmem>>, vector<16xi32>,
      %gather3A_28 = tpu.vector_load_idx %arg8[%get3A_27] : memref<10240xf32, #tpu.memory_space<vmem>>[vector<16xi32>], vector<16xf32>,
      %get3A_29 = arith.index_cast %scan3A_12 : i32 to index
      %get3A_30 = arith.constant 32 : index
      %get3A_31 = tpu.vector_load %arg7[%get3A_29, %get3A_30] {strides = array<i32>} : memref<80x128xi32, #tpu.memory_space<vmem>>, vector<16xi32>,
      tpu.vector_store_idx %arg9[%get3A_31], %gather3A_28 {add = true} : memref<10240xf32, #tpu.memory_space<vmem>>[vector<16xi32>], vector<16xf32>,
      %get3A_32 = arith.index_cast %scan3A_12 : i32 to index
      %get3A_33 = arith.constant 48 : index
      %get3A_34 = tpu.vector_load %arg6[%get3A_32, %get3A_33] {strides = array<i32>} : memref<80x128xi32, #tpu.memory_space<vmem>>, vector<16xi32>,
      %gather3A_35 = tpu.vector_load_idx %arg8[%get3A_34] : memref<10240xf32, #tpu.memory_space<vmem>>[vector<16xi32>], vector<16xf32>,
      %get3A_36 = arith.index_cast %scan3A_12 : i32 to index
      %get3A_37 = arith.constant 48 : index
      %get3A_38 = tpu.vector_load %arg7[%get3A_36, %get3A_37] {strides = array<i32>} : memref<80x128xi32, #tpu.memory_space<vmem>>, vector<16xi32>,
      tpu.vector_store_idx %arg9[%get3A_38], %gather3A_35 {add = true} : memref<10240xf32, #tpu.memory_space<vmem>>[vector<16xi32>], vector<16xf32>,
      %get3A_39 = arith.index_cast %scan3A_12 : i32 to index
      %get3A_40 = arith.constant 64 : index
      %get3A_41 = tpu.vector_load %arg6[%get3A_39, %get3A_40] {strides = array<i32>} : memref<80x128xi32, #tpu.memory_space<vmem>>, vector<16xi32>,
      %gather3A_42 = tpu.vector_load_idx %arg8[%get3A_41] : memref<10240xf32, #tpu.memory_space<vmem>>[vector<16xi32>], vector<16xf32>,
      %get3A_43 = arith.index_cast %scan3A_12 : i32 to index
      %get3A_44 = arith.constant 64 : index
      %get3A_45 = tpu.vector_load %arg7[%get3A_43, %get3A_44] {strides = array<i32>} : memref<80x128xi32, #tpu.memory_space<vmem>>, vector<16xi32>,
      tpu.vector_store_idx %arg9[%get3A_45], %gather3A_42 {add = true} : memref<10240xf32, #tpu.memory_space<vmem>>[vector<16xi32>], vector<16xf32>,
      %get3A_46 = arith.index_cast %scan3A_12 : i32 to index
      %get3A_47 = arith.constant 80 : index
      %get3A_48 = tpu.vector_load %arg6[%get3A_46, %get3A_47] {strides = array<i32>} : memref<80x128xi32, #tpu.memory_space<vmem>>, vector<16xi32>,
      %gather3A_49 = tpu.vector_load_idx %arg8[%get3A_48] : memref<10240xf32, #tpu.memory_space<vmem>>[vector<16xi32>], vector<16xf32>,
      %get3A_50 = arith.index_cast %scan3A_12 : i32 to index
      %get3A_51 = arith.constant 80 : index
      %get3A_52 = tpu.vector_load %arg7[%get3A_50, %get3A_51] {strides = array<i32>} : memref<80x128xi32, #tpu.memory_space<vmem>>, vector<16xi32>,
      tpu.vector_store_idx %arg9[%get3A_52], %gather3A_49 {add = true} : memref<10240xf32, #tpu.memory_space<vmem>>[vector<16xi32>], vector<16xf32>,
      %get3A_53 = arith.index_cast %scan3A_12 : i32 to index
      %get3A_54 = arith.constant 96 : index
      %get3A_55 = tpu.vector_load %arg6[%get3A_53, %get3A_54] {strides = array<i32>} : memref<80x128xi32, #tpu.memory_space<vmem>>, vector<16xi32>,
      %gather3A_56 = tpu.vector_load_idx %arg8[%get3A_55] : memref<10240xf32, #tpu.memory_space<vmem>>[vector<16xi32>], vector<16xf32>,
      %get3A_57 = arith.index_cast %scan3A_12 : i32 to index
      %get3A_58 = arith.constant 96 : index
      %get3A_59 = tpu.vector_load %arg7[%get3A_57, %get3A_58] {strides = array<i32>} : memref<80x128xi32, #tpu.memory_space<vmem>>, vector<16xi32>,
      tpu.vector_store_idx %arg9[%get3A_59], %gather3A_56 {add = true} : memref<10240xf32, #tpu.memory_space<vmem>>[vector<16xi32>], vector<16xf32>,
      %get3A_60 = arith.index_cast %scan3A_12 : i32 to index
      %get3A_61 = arith.constant 112 : index
      %get3A_62 = tpu.vector_load %arg6[%get3A_60, %get3A_61] {strides = array<i32>} : memref<80x128xi32, #tpu.memory_space<vmem>>, vector<16xi32>,
      %gather3A_63 = tpu.vector_load_idx %arg8[%get3A_62] : memref<10240xf32, #tpu.memory_space<vmem>>[vector<16xi32>], vector<16xf32>,
      %get3A_64 = arith.index_cast %scan3A_12 : i32 to index
      %get3A_65 = arith.constant 112 : index
      %get3A_66 = tpu.vector_load %arg7[%get3A_64, %get3A_65] {strides = array<i32>} : memref<80x128xi32, #tpu.memory_space<vmem>>, vector<16xi32>,
      tpu.vector_store_idx %arg9[%get3A_66], %gather3A_63 {add = true} : memref<10240xf32, #tpu.memory_space<vmem>>[vector<16xi32>], vector<16xf32>,
    }
    %scan3A_11 = arith.constant 80 : i32
    "tpu.region"() ({
      %run_scoped3A = tpu.sem_alloc : memref<!tpu.dma_semaphore, #tpu.memory_space<semaphore_mem>>
      %dma_start3A = arith.constant 0 : i32
      %dma_start3A_12 = tpu.memref_slice %arg5[%add3A, %dma_start3A] : memref<32x10240xf32, #tpu.memory_space<hbm>> -> memref<1x10240xf32, #tpu.memory_space<hbm>>
      %dma_start3A_13 = tpu.memref_squeeze %dma_start3A_12 : memref<1x10240xf32, #tpu.memory_space<hbm>> -> memref<10240xf32, #tpu.memory_space<hbm>>
      %dma_start3A_14 = arith.constant 0 : i32
      %dma_start3A_15 = tpu.memref_slice %arg5[%add3A, %dma_start3A_14] : memref<32x10240xf32, #tpu.memory_space<hbm>> -> memref<1x10240xf32, #tpu.memory_space<hbm>>
      %dma_start3A_16 = tpu.memref_squeeze %dma_start3A_15 : memref<1x10240xf32, #tpu.memory_space<hbm>> -> memref<10240xf32, #tpu.memory_space<hbm>>
      tpu.enqueue_dma source(%arg9 : memref<10240xf32, #tpu.memory_space<vmem>>) target(%dma_start3A_16 : memref<10240xf32, #tpu.memory_space<hbm>>) target_semaphore(%run_scoped3A : memref<!tpu.dma_semaphore, #tpu.memory_space<semaphore_mem>>)
      %dma_wait3A = arith.constant 0 : i32
      %dma_wait3A_17 = tpu.memref_slice %arg5[%add3A, %dma_wait3A] : memref<32x10240xf32, #tpu.memory_space<hbm>> -> memref<1x10240xf32, #tpu.memory_space<hbm>>
      %dma_wait3A_18 = tpu.memref_squeeze %dma_wait3A_17 : memref<1x10240xf32, #tpu.memory_space<hbm>> -> memref<10240xf32, #tpu.memory_space<hbm>>
      %dma_wait3A_19 = arith.constant 0 : i32
      %dma_wait3A_20 = tpu.memref_slice %arg5[%add3A, %dma_wait3A_19] : memref<32x10240xf32, #tpu.memory_space<hbm>> -> memref<1x10240xf32, #tpu.memory_space<hbm>>
      %dma_wait3A_21 = tpu.memref_squeeze %dma_wait3A_20 : memref<1x10240xf32, #tpu.memory_space<hbm>> -> memref<10240xf32, #tpu.memory_space<hbm>>
      tpu.wait_dma2 semaphore(%run_scoped3A : memref<!tpu.dma_semaphore, #tpu.memory_space<semaphore_mem>>) src(%arg9 : memref<10240xf32, #tpu.memory_space<vmem>>) dst(%dma_wait3A_21 : memref<10240xf32, #tpu.memory_space<hbm>>)
      tpu.yield
    }) : () -> ()
    return
  }
}

#map = affine_map<(d0, d1) -> (0, 0, 0)>
#map1 = affine_map<(d0, d1) -> (0, 0)>
module attributes {stable_mosaic.version = 14 : i64} {
  func.func @_deg_kernel(%arg0: i32, %arg1: i32, %arg2: memref<32x80x128xi32, #tpu.memory_space<hbm>>, %arg3: memref<32x10240xf32, #tpu.memory_space<hbm>>, %arg4: memref<80x128xi32, #tpu.memory_space<vmem>>, %arg5: memref<10240xf32, #tpu.memory_space<vmem>>) attributes {dimension_semantics = [#tpu.dimension_semantics<core_parallel>, #tpu.dimension_semantics<subcore_parallel>], iteration_bounds = array<i64: 2, 16>, scalar_prefetch = 0 : i64, scratch_operands = 2 : i64, tpu.core_type = #tpu.core_type<sc_vector_subcore>, window_params = [{transform_indices = #map}, {transform_indices = #map1}]} {
    %mul3A = arith.constant 16 : i32
    %mul3A_0 = arith.muli %arg0, %mul3A : i32
    %add3A = arith.addi %mul3A_0, %arg1 : i32
    "tpu.region"() ({
      %run_scoped3A = tpu.sem_alloc : memref<!tpu.dma_semaphore, #tpu.memory_space<semaphore_mem>>
      %dma_start3A = arith.constant 0 : i32
      %dma_start3A_13 = arith.constant 0 : i32
      %dma_start3A_14 = tpu.memref_slice %arg2[%add3A, %dma_start3A, %dma_start3A_13] : memref<32x80x128xi32, #tpu.memory_space<hbm>> -> memref<1x80x128xi32, #tpu.memory_space<hbm>>
      %dma_start3A_15 = tpu.memref_squeeze %dma_start3A_14 : memref<1x80x128xi32, #tpu.memory_space<hbm>> -> memref<80x128xi32, #tpu.memory_space<hbm>>
      %dma_start3A_16 = arith.constant 0 : i32
      %dma_start3A_17 = arith.constant 0 : i32
      %dma_start3A_18 = tpu.memref_slice %arg2[%add3A, %dma_start3A_16, %dma_start3A_17] : memref<32x80x128xi32, #tpu.memory_space<hbm>> -> memref<1x80x128xi32, #tpu.memory_space<hbm>>
      %dma_start3A_19 = tpu.memref_squeeze %dma_start3A_18 : memref<1x80x128xi32, #tpu.memory_space<hbm>> -> memref<80x128xi32, #tpu.memory_space<hbm>>
      tpu.enqueue_dma source(%dma_start3A_19 : memref<80x128xi32, #tpu.memory_space<hbm>>) target(%arg4 : memref<80x128xi32, #tpu.memory_space<vmem>>) target_semaphore(%run_scoped3A : memref<!tpu.dma_semaphore, #tpu.memory_space<semaphore_mem>>)
      %dma_wait3A = arith.constant 0 : i32
      %dma_wait3A_20 = arith.constant 0 : i32
      %dma_wait3A_21 = tpu.memref_slice %arg2[%add3A, %dma_wait3A, %dma_wait3A_20] : memref<32x80x128xi32, #tpu.memory_space<hbm>> -> memref<1x80x128xi32, #tpu.memory_space<hbm>>
      %dma_wait3A_22 = tpu.memref_squeeze %dma_wait3A_21 : memref<1x80x128xi32, #tpu.memory_space<hbm>> -> memref<80x128xi32, #tpu.memory_space<hbm>>
      %dma_wait3A_23 = arith.constant 0 : i32
      %dma_wait3A_24 = arith.constant 0 : i32
      %dma_wait3A_25 = tpu.memref_slice %arg2[%add3A, %dma_wait3A_23, %dma_wait3A_24] : memref<32x80x128xi32, #tpu.memory_space<hbm>> -> memref<1x80x128xi32, #tpu.memory_space<hbm>>
      %dma_wait3A_26 = tpu.memref_squeeze %dma_wait3A_25 : memref<1x80x128xi32, #tpu.memory_space<hbm>> -> memref<80x128xi32, #tpu.memory_space<hbm>>
      tpu.wait_dma2 semaphore(%run_scoped3A : memref<!tpu.dma_semaphore, #tpu.memory_space<semaphore_mem>>) src(%dma_wait3A_26 : memref<80x128xi32, #tpu.memory_space<hbm>>) dst(%arg4 : memref<80x128xi32, #tpu.memory_space<vmem>>)
      tpu.yield
    }) : () -> ()
    %scan3A = arith.constant 0 : i32
    %scan3A_1 = arith.constant 0 : i32
    %scan3A_2 = arith.constant 640 : i32
    %scan3A_3 = arith.addi %scan3A_1, %scan3A_2 : i32
    %scan3A_4 = arith.constant 1 : i32
    scf.for %scan3A_13 = %scan3A_1 to %scan3A_3 step %scan3A_4  : i32 {
      %broadcast_in_dim3A_14 = arith.constant 0.000000e+00 : f32
      %broadcast_in_dim3A_15 = vector.broadcast %broadcast_in_dim3A_14 : f32 to vector<16xf32>
      %mul3A_16 = arith.constant 16 : i32
      %mul3A_17 = arith.muli %scan3A_13, %mul3A_16 : i32
      %swap3A = arith.index_cast %mul3A_17 : i32 to index
      %swap3A_18 = tpu.vector_load %arg5[%swap3A] {strides = array<i32>} : memref<10240xf32, #tpu.memory_space<vmem>>, vector<16xf32>,
      tpu.vector_store %arg5[%swap3A], %broadcast_in_dim3A_15 {strides = array<i32>} : memref<10240xf32, #tpu.memory_space<vmem>>, vector<16xf32>,
    }
    %scan3A_5 = arith.constant 640 : i32
    %broadcast_in_dim3A = arith.constant 1.000000e+00 : f32
    %broadcast_in_dim3A_6 = vector.broadcast %broadcast_in_dim3A : f32 to vector<16xf32>
    %scan3A_7 = arith.constant 0 : i32
    %scan3A_8 = arith.constant 0 : i32
    %scan3A_9 = arith.constant 80 : i32
    %scan3A_10 = arith.addi %scan3A_8, %scan3A_9 : i32
    %scan3A_11 = arith.constant 1 : i32
    scf.for %scan3A_13 = %scan3A_8 to %scan3A_10 step %scan3A_11  : i32 {
      %get3A = arith.index_cast %scan3A_13 : i32 to index
      %get3A_14 = arith.constant 0 : index
      %get3A_15 = tpu.vector_load %arg4[%get3A, %get3A_14] {strides = array<i32>} : memref<80x128xi32, #tpu.memory_space<vmem>>, vector<16xi32>,
      tpu.vector_store_idx %arg5[%get3A_15], %broadcast_in_dim3A_6 {add = true} : memref<10240xf32, #tpu.memory_space<vmem>>[vector<16xi32>], vector<16xf32>,
      %get3A_16 = arith.index_cast %scan3A_13 : i32 to index
      %get3A_17 = arith.constant 16 : index
      %get3A_18 = tpu.vector_load %arg4[%get3A_16, %get3A_17] {strides = array<i32>} : memref<80x128xi32, #tpu.memory_space<vmem>>, vector<16xi32>,
      tpu.vector_store_idx %arg5[%get3A_18], %broadcast_in_dim3A_6 {add = true} : memref<10240xf32, #tpu.memory_space<vmem>>[vector<16xi32>], vector<16xf32>,
      %get3A_19 = arith.index_cast %scan3A_13 : i32 to index
      %get3A_20 = arith.constant 32 : index
      %get3A_21 = tpu.vector_load %arg4[%get3A_19, %get3A_20] {strides = array<i32>} : memref<80x128xi32, #tpu.memory_space<vmem>>, vector<16xi32>,
      tpu.vector_store_idx %arg5[%get3A_21], %broadcast_in_dim3A_6 {add = true} : memref<10240xf32, #tpu.memory_space<vmem>>[vector<16xi32>], vector<16xf32>,
      %get3A_22 = arith.index_cast %scan3A_13 : i32 to index
      %get3A_23 = arith.constant 48 : index
      %get3A_24 = tpu.vector_load %arg4[%get3A_22, %get3A_23] {strides = array<i32>} : memref<80x128xi32, #tpu.memory_space<vmem>>, vector<16xi32>,
      tpu.vector_store_idx %arg5[%get3A_24], %broadcast_in_dim3A_6 {add = true} : memref<10240xf32, #tpu.memory_space<vmem>>[vector<16xi32>], vector<16xf32>,
      %get3A_25 = arith.index_cast %scan3A_13 : i32 to index
      %get3A_26 = arith.constant 64 : index
      %get3A_27 = tpu.vector_load %arg4[%get3A_25, %get3A_26] {strides = array<i32>} : memref<80x128xi32, #tpu.memory_space<vmem>>, vector<16xi32>,
      tpu.vector_store_idx %arg5[%get3A_27], %broadcast_in_dim3A_6 {add = true} : memref<10240xf32, #tpu.memory_space<vmem>>[vector<16xi32>], vector<16xf32>,
      %get3A_28 = arith.index_cast %scan3A_13 : i32 to index
      %get3A_29 = arith.constant 80 : index
      %get3A_30 = tpu.vector_load %arg4[%get3A_28, %get3A_29] {strides = array<i32>} : memref<80x128xi32, #tpu.memory_space<vmem>>, vector<16xi32>,
      tpu.vector_store_idx %arg5[%get3A_30], %broadcast_in_dim3A_6 {add = true} : memref<10240xf32, #tpu.memory_space<vmem>>[vector<16xi32>], vector<16xf32>,
      %get3A_31 = arith.index_cast %scan3A_13 : i32 to index
      %get3A_32 = arith.constant 96 : index
      %get3A_33 = tpu.vector_load %arg4[%get3A_31, %get3A_32] {strides = array<i32>} : memref<80x128xi32, #tpu.memory_space<vmem>>, vector<16xi32>,
      tpu.vector_store_idx %arg5[%get3A_33], %broadcast_in_dim3A_6 {add = true} : memref<10240xf32, #tpu.memory_space<vmem>>[vector<16xi32>], vector<16xf32>,
      %get3A_34 = arith.index_cast %scan3A_13 : i32 to index
      %get3A_35 = arith.constant 112 : index
      %get3A_36 = tpu.vector_load %arg4[%get3A_34, %get3A_35] {strides = array<i32>} : memref<80x128xi32, #tpu.memory_space<vmem>>, vector<16xi32>,
      tpu.vector_store_idx %arg5[%get3A_36], %broadcast_in_dim3A_6 {add = true} : memref<10240xf32, #tpu.memory_space<vmem>>[vector<16xi32>], vector<16xf32>,
    }
    %scan3A_12 = arith.constant 80 : i32
    "tpu.region"() ({
      %run_scoped3A = tpu.sem_alloc : memref<!tpu.dma_semaphore, #tpu.memory_space<semaphore_mem>>
      %dma_start3A = arith.constant 0 : i32
      %dma_start3A_13 = tpu.memref_slice %arg3[%add3A, %dma_start3A] : memref<32x10240xf32, #tpu.memory_space<hbm>> -> memref<1x10240xf32, #tpu.memory_space<hbm>>
      %dma_start3A_14 = tpu.memref_squeeze %dma_start3A_13 : memref<1x10240xf32, #tpu.memory_space<hbm>> -> memref<10240xf32, #tpu.memory_space<hbm>>
      %dma_start3A_15 = arith.constant 0 : i32
      %dma_start3A_16 = tpu.memref_slice %arg3[%add3A, %dma_start3A_15] : memref<32x10240xf32, #tpu.memory_space<hbm>> -> memref<1x10240xf32, #tpu.memory_space<hbm>>
      %dma_start3A_17 = tpu.memref_squeeze %dma_start3A_16 : memref<1x10240xf32, #tpu.memory_space<hbm>> -> memref<10240xf32, #tpu.memory_space<hbm>>
      tpu.enqueue_dma source(%arg5 : memref<10240xf32, #tpu.memory_space<vmem>>) target(%dma_start3A_17 : memref<10240xf32, #tpu.memory_space<hbm>>) target_semaphore(%run_scoped3A : memref<!tpu.dma_semaphore, #tpu.memory_space<semaphore_mem>>)
      %dma_wait3A = arith.constant 0 : i32
      %dma_wait3A_18 = tpu.memref_slice %arg3[%add3A, %dma_wait3A] : memref<32x10240xf32, #tpu.memory_space<hbm>> -> memref<1x10240xf32, #tpu.memory_space<hbm>>
      %dma_wait3A_19 = tpu.memref_squeeze %dma_wait3A_18 : memref<1x10240xf32, #tpu.memory_space<hbm>> -> memref<10240xf32, #tpu.memory_space<hbm>>
      %dma_wait3A_20 = arith.constant 0 : i32
      %dma_wait3A_21 = tpu.memref_slice %arg3[%add3A, %dma_wait3A_20] : memref<32x10240xf32, #tpu.memory_space<hbm>> -> memref<1x10240xf32, #tpu.memory_space<hbm>>
      %dma_wait3A_22 = tpu.memref_squeeze %dma_wait3A_21 : memref<1x10240xf32, #tpu.memory_space<hbm>> -> memref<10240xf32, #tpu.memory_space<hbm>>
      tpu.wait_dma2 semaphore(%run_scoped3A : memref<!tpu.dma_semaphore, #tpu.memory_space<semaphore_mem>>) src(%arg5 : memref<10240xf32, #tpu.memory_space<vmem>>) dst(%dma_wait3A_22 : memref<10240xf32, #tpu.memory_space<hbm>>)
      tpu.yield
    }) : () -> ()
    return
  }
}

module attributes {stable_mosaic.version = 14 : i64} {
  func.func @_lin1_body(%arg0: i32, %arg1: memref<1024x128xf32, #tpu.memory_space<vmem>>, %arg2: memref<128x128xf32, #tpu.memory_space<vmem>>, %arg3: memref<1024x32xf32, #tpu.memory_space<vmem>>, %arg4: memref<2x1024x64xf32, #tpu.memory_space<vmem>>, %arg5: memref<1024x1xf32, #tpu.memory_space<vmem>>) attributes {dimension_semantics = [#tpu.dimension_semantics<arbitrary>], iteration_bounds = array<i64: 10>, scalar_prefetch = 0 : i64, scratch_operands = 0 : i64, tpu.core_type = #tpu.core_type<tc>, window_params = [{transform_indices = @transform_0, window_bounds = array<i64: 1024, 128>}, {pipeline_mode = #tpu.pipeline_mode<synchronous>, transform_indices = @transform_1, window_bounds = array<i64: 128, 128>}, {transform_indices = @transform_2, window_bounds = array<i64: 1024, 32>}, {transform_indices = @transform_3, window_bounds = array<i64: 2, 1024, 64>}, {transform_indices = @transform_4, window_bounds = array<i64: 1024, 1>}]} {
    %get3A = arith.constant 0 : index
    %get3A_0 = arith.constant 0 : index
    %get3A_1 = vector.load %arg3[%get3A, %get3A_0] : memref<1024x32xf32, #tpu.memory_space<vmem>>, vector<1024x32xf32>
    %reduce_sum3A = arith.constant dense<0.000000e+00> : vector<1024xf32>
    %reduce_sum3A_2 = vector.multi_reduction <add>, %get3A_1, %reduce_sum3A [1] : vector<1024x32xf32> to vector<1024xf32>
    %broadcast_in_dim3A = vector.shape_cast %reduce_sum3A_2 : vector<1024xf32> to vector<1024x1xf32>
    %add3A = arith.constant 1.000000e+00 : f32
    %add3A_3 = vector.broadcast %add3A : f32 to vector<1024x1xf32>
    %add3A_4 = arith.addf %broadcast_in_dim3A, %add3A_3 : vector<1024x1xf32>
    %rsqrt3A = math.rsqrt %add3A_4 : vector<1024x1xf32>
    %get3A_5 = arith.constant 0 : index
    %get3A_6 = arith.constant 0 : index
    %get3A_7 = vector.load %arg1[%get3A_5, %get3A_6] : memref<1024x128xf32, #tpu.memory_space<vmem>>, vector<1024x128xf32>
    %get3A_8 = arith.constant 0 : index
    %get3A_9 = arith.constant 0 : index
    %get3A_10 = vector.load %arg2[%get3A_8, %get3A_9] : memref<128x128xf32, #tpu.memory_space<vmem>>, vector<128x128xf32>
    %dot_general3A = arith.constant dense<0.000000e+00> : vector<1024x128xf32>
    %dot_general3A_11 = tpu.matmul %get3A_7, %get3A_10, %dot_general3A {dimension_numbers = #tpu.dot_dimension_numbers<[1], [1], [0], [0], [0, 0, 1, 0], [], []>, transpose_lhs_hint = false} : vector<1024x128xf32>, vector<128x128xf32>, vector<1024x128xf32> -> vector<1024x128xf32>
    %mul3A = vector.broadcast %rsqrt3A : vector<1024x1xf32> to vector<1024x128xf32>
    %mul3A_12 = arith.mulf %mul3A, %dot_general3A_11 : vector<1024x128xf32>
    %slice3A = vector.extract_strided_slice %mul3A_12 {offsets = [0, 0], sizes = [1024, 64], strides = [1, 1]} : vector<1024x128xf32> to vector<1024x64xf32>
    %swap3A = arith.constant 0 : index
    %swap3A_13 = arith.constant 0 : index
    %swap3A_14 = arith.constant 0 : index
    %swap3A_15 = vector.load %arg4[%swap3A, %swap3A_13, %swap3A_14] : memref<2x1024x64xf32, #tpu.memory_space<vmem>>, vector<1x1024x64xf32>
    %swap3A_16 = vector.shape_cast %swap3A_15 : vector<1x1024x64xf32> to vector<1024x64xf32>
    %swap3A_17 = vector.shape_cast %slice3A : vector<1024x64xf32> to vector<1x1024x64xf32>
    tpu.vector_store %arg4[%swap3A, %swap3A_13, %swap3A_14], %swap3A_17 {strides = array<i32>} : memref<2x1024x64xf32, #tpu.memory_space<vmem>>, vector<1x1024x64xf32>,
    %slice3A_18 = vector.extract_strided_slice %mul3A_12 {offsets = [0, 64], sizes = [1024, 64], strides = [1, 1]} : vector<1024x128xf32> to vector<1024x64xf32>
    %swap3A_19 = arith.constant 1 : index
    %swap3A_20 = arith.constant 0 : index
    %swap3A_21 = arith.constant 0 : index
    %swap3A_22 = vector.load %arg4[%swap3A_19, %swap3A_20, %swap3A_21] : memref<2x1024x64xf32, #tpu.memory_space<vmem>>, vector<1x1024x64xf32>
    %swap3A_23 = vector.shape_cast %swap3A_22 : vector<1x1024x64xf32> to vector<1024x64xf32>
    %swap3A_24 = vector.shape_cast %slice3A_18 : vector<1024x64xf32> to vector<1x1024x64xf32>
    tpu.vector_store %arg4[%swap3A_19, %swap3A_20, %swap3A_21], %swap3A_24 {strides = array<i32>} : memref<2x1024x64xf32, #tpu.memory_space<vmem>>, vector<1x1024x64xf32>,
    %swap3A_25 = arith.constant 0 : index
    %swap3A_26 = arith.constant 0 : index
    %swap3A_27 = vector.load %arg5[%swap3A_25, %swap3A_26] : memref<1024x1xf32, #tpu.memory_space<vmem>>, vector<1024x1xf32>
    tpu.vector_store %arg5[%swap3A_25, %swap3A_26], %rsqrt3A {strides = array<i32>} : memref<1024x1xf32, #tpu.memory_space<vmem>>, vector<1024x1xf32>,
    return
  }
  func.func @transform_0(%arg0: i32) -> (i32, i32) {
    %c0_i32 = arith.constant 0 : i32
    %c0_i32_0 = arith.constant 0 : i32
    return %arg0, %c0_i32 : i32, i32
  }
  func.func @transform_1(%arg0: i32) -> (i32, i32) {
    %c0_i32 = arith.constant 0 : i32
    %c0_i32_0 = arith.constant 0 : i32
    %c0_i32_1 = arith.constant 0 : i32
    return %c0_i32, %c0_i32_0 : i32, i32
  }
  func.func @transform_2(%arg0: i32) -> (i32, i32) {
    %c0_i32 = arith.constant 0 : i32
    %c0_i32_0 = arith.constant 0 : i32
    return %arg0, %c0_i32 : i32, i32
  }
  func.func @transform_3(%arg0: i32) -> (i32, i32, i32) {
    %c0_i32 = arith.constant 0 : i32
    %c0_i32_0 = arith.constant 0 : i32
    %c0_i32_1 = arith.constant 0 : i32
    return %c0_i32, %arg0, %c0_i32_0 : i32, i32, i32
  }
  func.func @transform_4(%arg0: i32) -> (i32, i32) {
    %c0_i32 = arith.constant 0 : i32
    %c0_i32_0 = arith.constant 0 : i32
    return %arg0, %c0_i32 : i32, i32
  }
}

module attributes {stable_mosaic.version = 14 : i64} {
  func.func @_lin2_body(%arg0: i32, %arg1: memref<1024x64xf32, #tpu.memory_space<vmem>>, %arg2: memref<1024x64xf32, #tpu.memory_space<vmem>>, %arg3: memref<1024x64xf32, #tpu.memory_space<vmem>>, %arg4: memref<1024x64xf32, #tpu.memory_space<vmem>>, %arg5: memref<1024x1xf32, #tpu.memory_space<vmem>>, %arg6: memref<1x128xf32, #tpu.memory_space<vmem>>, %arg7: memref<1x128xf32, #tpu.memory_space<vmem>>, %arg8: memref<1024x1xf32, #tpu.memory_space<vmem>>) attributes {dimension_semantics = [#tpu.dimension_semantics<arbitrary>], iteration_bounds = array<i64: 10>, scalar_prefetch = 0 : i64, scratch_operands = 0 : i64, tpu.core_type = #tpu.core_type<tc>, window_params = [{transform_indices = @transform_0, window_bounds = array<i64: 1024, 64>}, {transform_indices = @transform_1, window_bounds = array<i64: 1024, 64>}, {transform_indices = @transform_2, window_bounds = array<i64: 1024, 64>}, {transform_indices = @transform_3, window_bounds = array<i64: 1024, 64>}, {transform_indices = @transform_4, window_bounds = array<i64: 1024, 1>}, {pipeline_mode = #tpu.pipeline_mode<synchronous>, transform_indices = @transform_5, window_bounds = array<i64: 1, 128>}, {pipeline_mode = #tpu.pipeline_mode<synchronous>, transform_indices = @transform_6, window_bounds = array<i64: 1, 128>}, {transform_indices = @transform_7, window_bounds = array<i64: 1024, 1>}]} {
    %get3A = arith.constant 0 : index
    %get3A_0 = arith.constant 0 : index
    %get3A_1 = vector.load %arg5[%get3A, %get3A_0] : memref<1024x1xf32, #tpu.memory_space<vmem>>, vector<1024x1xf32>
    %get3A_2 = arith.constant 0 : index
    %get3A_3 = arith.constant 0 : index
    %get3A_4 = vector.load %arg1[%get3A_2, %get3A_3] : memref<1024x64xf32, #tpu.memory_space<vmem>>, vector<1024x64xf32>
    %get3A_5 = arith.constant 0 : index
    %get3A_6 = arith.constant 0 : index
    %get3A_7 = vector.load %arg3[%get3A_5, %get3A_6] : memref<1024x64xf32, #tpu.memory_space<vmem>>, vector<1024x64xf32>
    %add3A = arith.addf %get3A_4, %get3A_7 : vector<1024x64xf32>
    %mul3A = vector.broadcast %get3A_1 : vector<1024x1xf32> to vector<1024x64xf32>
    %mul3A_8 = arith.mulf %mul3A, %add3A : vector<1024x64xf32>
    %get3A_9 = arith.constant 0 : index
    %get3A_10 = arith.constant 0 : index
    %get3A_11 = vector.load %arg6[%get3A_9, %get3A_10] : memref<1x128xf32, #tpu.memory_space<vmem>>, vector<1x64xf32>
    %add3A_12 = vector.broadcast %get3A_11 : vector<1x64xf32> to vector<1024x64xf32>
    %add3A_13 = arith.addf %mul3A_8, %add3A_12 : vector<1024x64xf32>
    %get3A_14 = arith.constant 0 : index
    %get3A_15 = arith.constant 0 : index
    %get3A_16 = vector.load %arg2[%get3A_14, %get3A_15] : memref<1024x64xf32, #tpu.memory_space<vmem>>, vector<1024x64xf32>
    %get3A_17 = arith.constant 0 : index
    %get3A_18 = arith.constant 0 : index
    %get3A_19 = vector.load %arg4[%get3A_17, %get3A_18] : memref<1024x64xf32, #tpu.memory_space<vmem>>, vector<1024x64xf32>
    %add3A_20 = arith.addf %get3A_16, %get3A_19 : vector<1024x64xf32>
    %mul3A_21 = vector.broadcast %get3A_1 : vector<1024x1xf32> to vector<1024x64xf32>
    %mul3A_22 = arith.mulf %mul3A_21, %add3A_20 : vector<1024x64xf32>
    %get3A_23 = arith.constant 0 : index
    %get3A_24 = arith.constant 64 : index
    %get3A_25 = vector.load %arg6[%get3A_23, %get3A_24] : memref<1x128xf32, #tpu.memory_space<vmem>>, vector<1x64xf32>
    %add3A_26 = vector.broadcast %get3A_25 : vector<1x64xf32> to vector<1024x64xf32>
    %add3A_27 = arith.addf %mul3A_22, %add3A_26 : vector<1024x64xf32>
    %max3A = arith.constant 0.000000e+00 : f32
    %max3A_28 = vector.broadcast %max3A : f32 to vector<1024x64xf32>
    %max3A_29 = arith.maximumf %add3A_13, %max3A_28 : vector<1024x64xf32>
    %max3A_30 = arith.constant 0.000000e+00 : f32
    %max3A_31 = vector.broadcast %max3A_30 : f32 to vector<1024x64xf32>
    %max3A_32 = arith.maximumf %add3A_27, %max3A_31 : vector<1024x64xf32>
    %get3A_33 = arith.constant 0 : index
    %get3A_34 = arith.constant 0 : index
    %get3A_35 = vector.load %arg7[%get3A_33, %get3A_34] : memref<1x128xf32, #tpu.memory_space<vmem>>, vector<1x64xf32>
    %mul3A_36 = vector.broadcast %get3A_35 : vector<1x64xf32> to vector<1024x64xf32>
    %mul3A_37 = arith.mulf %max3A_29, %mul3A_36 : vector<1024x64xf32>
    %reduce_sum3A = arith.constant dense<0.000000e+00> : vector<1024xf32>
    %reduce_sum3A_38 = vector.multi_reduction <add>, %mul3A_37, %reduce_sum3A [1] : vector<1024x64xf32> to vector<1024xf32>
    %broadcast_in_dim3A = vector.shape_cast %reduce_sum3A_38 : vector<1024xf32> to vector<1024x1xf32>
    %get3A_39 = arith.constant 0 : index
    %get3A_40 = arith.constant 64 : index
    %get3A_41 = vector.load %arg7[%get3A_39, %get3A_40] : memref<1x128xf32, #tpu.memory_space<vmem>>, vector<1x64xf32>
    %mul3A_42 = vector.broadcast %get3A_41 : vector<1x64xf32> to vector<1024x64xf32>
    %mul3A_43 = arith.mulf %max3A_32, %mul3A_42 : vector<1024x64xf32>
    %reduce_sum3A_44 = arith.constant dense<0.000000e+00> : vector<1024xf32>
    %reduce_sum3A_45 = vector.multi_reduction <add>, %mul3A_43, %reduce_sum3A_44 [1] : vector<1024x64xf32> to vector<1024xf32>
    %broadcast_in_dim3A_46 = vector.shape_cast %reduce_sum3A_45 : vector<1024xf32> to vector<1024x1xf32>
    %add3A_47 = arith.addf %broadcast_in_dim3A, %broadcast_in_dim3A_46 : vector<1024x1xf32>
    %mul3A_48 = arith.mulf %get3A_1, %add3A_47 : vector<1024x1xf32>
    %swap3A = arith.constant 0 : index
    %swap3A_49 = arith.constant 0 : index
    %swap3A_50 = vector.load %arg8[%swap3A, %swap3A_49] : memref<1024x1xf32, #tpu.memory_space<vmem>>, vector<1024x1xf32>
    tpu.vector_store %arg8[%swap3A, %swap3A_49], %mul3A_48 {strides = array<i32>} : memref<1024x1xf32, #tpu.memory_space<vmem>>, vector<1024x1xf32>,
    return
  }
  func.func @transform_0(%arg0: i32) -> (i32, i32) {
    %c0_i32 = arith.constant 0 : i32
    %c0_i32_0 = arith.constant 0 : i32
    return %arg0, %c0_i32 : i32, i32
  }
  func.func @transform_1(%arg0: i32) -> (i32, i32) {
    %c0_i32 = arith.constant 0 : i32
    %c0_i32_0 = arith.constant 0 : i32
    return %arg0, %c0_i32 : i32, i32
  }
  func.func @transform_2(%arg0: i32) -> (i32, i32) {
    %c0_i32 = arith.constant 0 : i32
    %c0_i32_0 = arith.constant 0 : i32
    return %arg0, %c0_i32 : i32, i32
  }
  func.func @transform_3(%arg0: i32) -> (i32, i32) {
    %c0_i32 = arith.constant 0 : i32
    %c0_i32_0 = arith.constant 0 : i32
    return %arg0, %c0_i32 : i32, i32
  }
  func.func @transform_4(%arg0: i32) -> (i32, i32) {
    %c0_i32 = arith.constant 0 : i32
    %c0_i32_0 = arith.constant 0 : i32
    return %arg0, %c0_i32 : i32, i32
  }
  func.func @transform_5(%arg0: i32) -> (i32, i32) {
    %c0_i32 = arith.constant 0 : i32
    %c0_i32_0 = arith.constant 0 : i32
    %c0_i32_1 = arith.constant 0 : i32
    return %c0_i32, %c0_i32_0 : i32, i32
  }
  func.func @transform_6(%arg0: i32) -> (i32, i32) {
    %c0_i32 = arith.constant 0 : i32
    %c0_i32_0 = arith.constant 0 : i32
    %c0_i32_1 = arith.constant 0 : i32
    return %c0_i32, %c0_i32_0 : i32, i32
  }
  func.func @transform_7(%arg0: i32) -> (i32, i32) {
    %c0_i32 = arith.constant 0 : i32
    %c0_i32_0 = arith.constant 0 : i32
    return %arg0, %c0_i32 : i32, i32
  }
}

module attributes {stable_mosaic.version = 14 : i64} {
  func.func @_final_body(%arg0: i32, %arg1: memref<1024x32xf32, #tpu.memory_space<vmem>>, %arg2: memref<1024x1xf32, #tpu.memory_space<vmem>>, %arg3: memref<1024x1xf32, #tpu.memory_space<vmem>>, %arg4: memref<1x1xf32, #tpu.memory_space<vmem>>, %arg5: memref<1024x1xf32, #tpu.memory_space<vmem>>) attributes {dimension_semantics = [#tpu.dimension_semantics<arbitrary>], iteration_bounds = array<i64: 10>, scalar_prefetch = 0 : i64, scratch_operands = 0 : i64, tpu.core_type = #tpu.core_type<tc>, window_params = [{transform_indices = @transform_0, window_bounds = array<i64: 1024, 32>}, {transform_indices = @transform_1, window_bounds = array<i64: 1024, 1>}, {transform_indices = @transform_2, window_bounds = array<i64: 1024, 1>}, {pipeline_mode = #tpu.pipeline_mode<synchronous>, transform_indices = @transform_3, window_bounds = array<i64: 1, 1>}, {transform_indices = @transform_4, window_bounds = array<i64: 1024, 1>}]} {
    %get3A = arith.constant 0 : index
    %get3A_0 = arith.constant 0 : index
    %get3A_1 = vector.load %arg1[%get3A, %get3A_0] : memref<1024x32xf32, #tpu.memory_space<vmem>>, vector<1024x32xf32>
    %reduce_sum3A = arith.constant dense<0.000000e+00> : vector<1024xf32>
    %reduce_sum3A_2 = vector.multi_reduction <add>, %get3A_1, %reduce_sum3A [1] : vector<1024x32xf32> to vector<1024xf32>
    %broadcast_in_dim3A = vector.shape_cast %reduce_sum3A_2 : vector<1024xf32> to vector<1024x1xf32>
    %get3A_3 = arith.constant 0 : index
    %get3A_4 = arith.constant 0 : index
    %get3A_5 = vector.load %arg3[%get3A_3, %get3A_4] : memref<1024x1xf32, #tpu.memory_space<vmem>>, vector<1024x1xf32>
    %get3A_6 = arith.constant 0 : index
    %get3A_7 = arith.constant 0 : index
    %get3A_8 = vector.load %arg2[%get3A_6, %get3A_7] : memref<1024x1xf32, #tpu.memory_space<vmem>>, vector<1024x1xf32>
    %add3A = arith.addf %broadcast_in_dim3A, %get3A_8 : vector<1024x1xf32>
    %mul3A = arith.mulf %get3A_5, %add3A : vector<1024x1xf32>
    %get3A_9 = arith.constant 0 : index
    %get3A_10 = arith.constant 0 : index
    %get3A_11 = vector.load %arg4[%get3A_9, %get3A_10] : memref<1x1xf32, #tpu.memory_space<vmem>>, vector<1x1xf32>
    %add3A_12 = vector.broadcast %get3A_11 : vector<1x1xf32> to vector<1024x1xf32>
    %add3A_13 = arith.addf %mul3A, %add3A_12 : vector<1024x1xf32>
    %swap3A = arith.constant 0 : index
    %swap3A_14 = arith.constant 0 : index
    %swap3A_15 = vector.load %arg5[%swap3A, %swap3A_14] : memref<1024x1xf32, #tpu.memory_space<vmem>>, vector<1024x1xf32>
    tpu.vector_store %arg5[%swap3A, %swap3A_14], %add3A_13 {strides = array<i32>} : memref<1024x1xf32, #tpu.memory_space<vmem>>, vector<1024x1xf32>,
    return
  }
  func.func @transform_0(%arg0: i32) -> (i32, i32) {
    %c0_i32 = arith.constant 0 : i32
    %c0_i32_0 = arith.constant 0 : i32
    return %arg0, %c0_i32 : i32, i32
  }
  func.func @transform_1(%arg0: i32) -> (i32, i32) {
    %c0_i32 = arith.constant 0 : i32
    %c0_i32_0 = arith.constant 0 : i32
    return %arg0, %c0_i32 : i32, i32
  }
  func.func @transform_2(%arg0: i32) -> (i32, i32) {
    %c0_i32 = arith.constant 0 : i32
    %c0_i32_0 = arith.constant 0 : i32
    return %arg0, %c0_i32 : i32, i32
  }
  func.func @transform_3(%arg0: i32) -> (i32, i32) {
    %c0_i32 = arith.constant 0 : i32
    %c0_i32_0 = arith.constant 0 : i32
    %c0_i32_1 = arith.constant 0 : i32
    return %c0_i32, %c0_i32_0 : i32, i32
  }
  func.func @transform_4(%arg0: i32) -> (i32, i32) {
    %c0_i32 = arith.constant 0 : i32
    %c0_i32_0 = arith.constant 0 : i32
    return %arg0, %c0_i32 : i32, i32
  }
}

</mosaic_0001>

<sc_bundles>
// kernel: kernel.11.cloned.1.call-start
scs
__scs_entry_jumppad:
0x0: {  	(pc) =	sbr.rel $0x88, $3  }
0x1: {  	(tag) =	ssettag $0x0;
	lr =	simm.s32 $0x1  }
0x2: {  	[smem:$0x3F9B] =	sst lr;
	_ =	strace $0xD0000000  }
0x3: {  	_ = 	snop  }
0x4: {  	_ = 	snop  }
0x5: {  	_ = 	snop  }
0x6: {  	_ = 	snop  }
0x7: {  	_ = 	snop  }
__scs_overlays_trampoline_lowered:
0x8: {  	[smem:$0x3FAA] =	sst s0  }
0x9: {  	[smem:$0x3FAB] =	sst s1  }
0xa: {  	[smem:$0x3FAC] =	sst s2  }
0xb: {  	[smem:$0x3FAD] =	sst s3  }
0xc: {  	[smem:$0x3FAE] =	sst s4  }
0xd: {  	[smem:$0x3FAF] =	sst s5  }
0xe: {  	[smem:$0x3FB0] =	sst s6  }
0xf: {  	[smem:$0x3FB1] =	sst s7  }
0x10: {  	[smem:$0x3FB2] =	sst s8  }
0x11: {  	[smem:$0x3FB3] =	sst s9;
	s0 =	simm.s32 @!p0 $0x0  }
0x12: {  	s1 =	sld [smem:$0x3F99];
	s0 =	simm.s32 @p0 $0x1  }
0x13: {  	[smem:$0x3FB4] =	sst s0;
	s0 =	simm.s32 @!p1 $0x0  }
0x14: {  	s2 =	sld [smem:$0x3F98];
	s0 =	simm.s32 @p1 $0x1  }
0x15: {  	[smem:$0x3FB5] =	sst s0;
	s0 =	simm.s32 @!p2 $0x0  }
0x16: {  	s3 =	sld [smem:$0x3FDB];
	s0 =	simm.s32 @p2 $0x1  }
0x17: {  	s4 =	simm.s32 $0x1BF5;
	[smem:$0x3FB7] =	sst s0  }
0x18: {  	s0 =	sld [smem:$0x3F9A];
	_ =	swait.ge [sflag:s4], $0x0  }
0x19: {  	s7 =	sld [smem:$0x3F9B]  }
0x1a: {  	s8 =	sadd.s32 $0xFFFFE003, lr  }
0x1b: {  	s9 =	sadd.s32 $0xFFFFFEF7, lr;
	s5 =	simm.s32 $0xFFFFFFFF;
	p2 =	slt.u32 s8, $0xFFFFF086  }
0x1c: {  	p1 =	slt.u32 s9, $0xF7A;
	s5 =	simm.s32 @!p2 $0x0  }
0x1d: {  	s5 =	simm.s32 @p1 $0x1;
	p0 =	seq.s32 s7, s2  }
0x1e: {  	s7 =	smul.u32 @!p0 $0xF7A, s2;
	p2 =	seq.s32 @!p0 s5, $0x0  }
0x1f: {  	s9 =	smul.u32 $0xF7A, s1;
	s8 =	simm.s32 @!p0 $0x1BF5;
	p2 =	por !p2, p0  }
0x20: {  	[sflag:s8] =	ssyncset.s32 @!p0 $0xFFFFF086;
	s6 =	sadd.s32 @!p0 s3, s7;
	s7 =	simm.s32 @!p0 $0x108  }
0x21: {  	s3 =	sadd.s32 s3, s9;
	s6 =	sadd.s32 @!p0 $0x88, s6;
	s7 =	simm.s32 @p2 $0x1082  }
0x22: {  	[simem:s7], [sflag:s8] =	dma.local @!p0 [hbm:s6], $0xF7A  }
0x23: {  	s9 =	sor.u32 $0xD0000000, s2;
	s6 =	simm.s32 $0x108;
	_ =	swait.ge @!p0 [sflag:s8], $0x0  }
0x24: {  	s3 =	sadd.s32 $0x88, s3;
	s6 =	simm.s32 @!p1 $0x1082;
	[sflag:s4] =	ssyncset.s32 $0xFFFFF086  }
0x25: {  	[simem:s6], [sflag:s4] =	dma.local [hbm:s3], $0xF7A  }
0x26: {  	[smem:$0x3F9B] =	sst s1;
	(tag) =	ssettag s2;
	_ =	strace s9  }
0x27: {  	s1 =	sld [smem:$0x3FAB]  }
0x28: {  	s2 =	sld [smem:$0x3FAC]  }
0x29: {  	s4 =	sld [smem:$0x3FAE]  }
0x2a: {  	p0 =	seq.s32 s5, $0x0;
	s5 =	sld [smem:$0x3FAF]  }
0x2b: {  	s6 =	sld [smem:$0x3FB0]  }
0x2c: {  	s7 =	sld [smem:$0x3FB1]  }
0x2d: {  	s3 =	simm.s32 $0x108;
	s8 =	sld [smem:$0x3FB2]  }
0x2e: {  	s3 =	simm.s32 @!p0 $0x1082;
	s9 =	sld [smem:$0x3FB3]  }
0x2f: {  	lr =	sadd.s32 s0, s3;
	s0 =	sld [smem:$0x3FAA]  }
0x30: {  	s3 =	sld [smem:$0x3FAD]  }
0x31: {  	[smem:$0x3FB6] =	sst s10  }
0x32: {  	s10 =	sld [smem:$0x3FB4];
	_ =	sdelay $0x3  }
0x33: {  	p0 =	seq.s32 s10, $0x1;
	s10 =	sld [smem:$0x3FB6];
	_ =	sdelay $0x3  }
0x34: {  	[smem:$0x3FB6] =	sst s10  }
0x35: {  	s10 =	sld [smem:$0x3FB5];
	_ =	sdelay $0x3  }
0x36: {  	p1 =	seq.s32 s10, $0x1;
	s10 =	sld [smem:$0x3FB6];
	_ =	sdelay $0x3  }
0x37: {  	[smem:$0x3FB6] =	sst s10  }
0x38: {  	s10 =	sld [smem:$0x3FB7]  }
0x39: {  	_ = 	snop;
	(pc) =	sbr.ind lr, $3  }
0x3a: {  	_ = 	snop  }
0x3b: {  	_ = 	snop  }
0x3c: {  	p2 =	seq.s32 s10, $0x1;
	s10 =	sld [smem:$0x3FB6]  }
0x3d: {  	_ =	shalt  }
0x3e: {  	_ =	shalt  }
0x3f: {  	_ =	shalt  }
0x40: {  	_ =	shalt  }
0x41: {  	_ =	shalt  }
0x42: {  	_ =	shalt  }
0x43: {  	_ =	shalt  }
0x44: {  	_ =	shalt  }
0x45: {  	_ =	shalt  }
0x46: {  	_ =	shalt  }
0x47: {  	_ =	shalt  }
0x48: {  	_ =	shalt  }
0x49: {  	_ =	shalt  }
0x4a: {  	_ =	shalt  }
0x4b: {  	_ =	shalt  }
0x4c: {  	_ =	shalt  }
0x4d: {  	_ =	shalt  }
0x4e: {  	_ =	shalt  }
0x4f: {  	_ =	shalt  }
0x50: {  	_ =	shalt  }
0x51: {  	_ =	shalt  }
0x52: {  	_ =	shalt  }
0x53: {  	_ =	shalt  }
0x54: {  	_ =	shalt  }
0x55: {  	_ =	shalt  }
0x56: {  	_ =	shalt  }
0x57: {  	_ =	shalt  }
0x58: {  	_ =	shalt  }
0x59: {  	_ =	shalt  }
0x5a: {  	_ =	shalt  }
0x5b: {  	_ =	shalt  }
0x5c: {  	_ =	shalt  }
0x5d: {  	_ =	shalt  }
0x5e: {  	_ =	shalt  }
0x5f: {  	_ =	shalt  }
0x60: {  	_ =	shalt  }
0x61: {  	_ =	shalt  }
0x62: {  	_ =	shalt  }
0x63: {  	_ =	shalt  }
0x64: {  	_ =	shalt  }
0x65: {  	_ =	shalt  }
0x66: {  	_ =	shalt  }
0x67: {  	_ =	shalt  }
0x68: {  	_ =	shalt  }
0x69: {  	_ =	shalt  }
0x6a: {  	_ =	shalt  }
0x6b: {  	_ =	shalt  }
0x6c: {  	_ =	shalt  }
0x6d: {  	_ =	shalt  }
0x6e: {  	_ =	shalt  }
0x6f: {  	_ =	shalt  }
0x70: {  	_ =	shalt  }
0x71: {  	_ =	shalt  }
0x72: {  	_ =	shalt  }
0x73: {  	_ =	shalt  }
0x74: {  	_ =	shalt  }
0x75: {  	_ =	shalt  }
0x76: {  	_ =	shalt  }
0x77: {  	_ =	shalt  }
0x78: {  	_ =	shalt  }
0x79: {  	_ =	shalt  }
0x7a: {  	_ =	shalt  }
0x7b: {  	_ =	shalt  }
0x7c: {  	_ =	shalt  }
0x7d: {  	_ =	shalt  }
0x7e: {  	_ =	shalt  }
0x7f: {  	_ =	shalt  }
0x80: {  	_ =	shalt  }
0x81: {  	_ =	shalt  }
0x82: {  	_ =	shalt  }
0x83: {  	_ =	shalt  }
0x84: {  	_ =	shalt  }
0x85: {  	_ =	shalt  }
0x86: {  	_ =	shalt  }
0x87: {  	_ =	shalt  }
.Lfunc_end0:
.L_simem_size_0:
called_computation.1_lowered:
.L_overlay_start_0:
0x88: {  	s2 =	sld [smem:$0x3FD9]  }
0x89: {  	s3 =	sld [smem:$0x3FFE];
	_ =	sdelay $0x1  }
0x8a: {  	s1 =	srdreg.scid  }
0x8b: {  	s0 =	sand.u32 $0x1, s1  }
0x8c: {  	s16 =	sshll.u32 s0, $0xA;
	s2 =	sadd.s32 s3, s2  }
0x8d: {  	s2 =	sadd.s32 s2, s16  }
0x8e: {  	[smem:$0x3FC2] =	sst s2  }
0x8f: {  	_ = 	snop  }
0x90: {  	(tm) =	ssettm $0x1  }
0x91: {  	s17 =	sld [smem:$0x3FFB];
	_ =	sdelay $0x3  }
0x92: {  	_ =	strace s17  }
0x93: {  	s2 =	sld [smem:$0x3FFC];
	_ =	sdelay $0x3  }
0x94: {  	_ =	strace s2  }
0x95: {  	s2 =	sld [smem:$0x3FFD];
	_ =	sdelay $0x3  }
0x96: {  	_ =	strace s2  }
0x97: {  	_ =	strace $0x8FFFFFFF  }
0x98: {  	s18 =	sld [smem:$0x3FDB];
	_ =	sdelay $0x1  }
0x99: {  	s19 =	simm.s32 $_scs_section_size  }
0x9a: {  	s4 =	simm.s32 $_size__tile_overlayer_lowered;
	s5 =	simm.s32 $_tile_overlayer_lowered  }
0x9b: {  	s22 =	simm.s32 $0x1BFF;
	s21 =	sshll.u32 s5, $0x1;
	s2 =	sadd.s32 s19, s18  }
0x9c: {  	s6 =	simm.s32 $0x0;
	s20 =	sshll.u32 s4, $0x1;
	s4 =	sadd.s32 s21, s2  }
0x9d: {  	[timem:s6], [sflag:s22] =	dma.local [hbm:s4], s20  }
0x9e: {  	_ =	swait.ge [sflag:s22], s20  }
0x9f: {  	s3 =	ssub.s32 $0x0, s20;
	[sflag:s22] =	ssyncset.done $0x0  }
0xa0: {  	[sflag:s22] =	ssyncadd.s32 s3;
	_ =	sdelay $0x1  }
0xa1: {  	s23 =	simm.s32 $0x1B8B  }
0xa2: {  	_ =	swait.ge [sflag:s23], $0x1  }
0xa3: {  	[sflag:s23] =	ssyncset.done $0x0  }
0xa4: {  	s25 =	simm.s32 $0x1B8E;
	s24 =	sld [smem:$0x3FFE];
	[sflag:s23] =	ssyncadd.s32 $0xFFFFFFFF  }
0xa5: {  	s26 =	simm.s32 $execute0_lowered;
	[smem:$0x3FD2] =	sst s25  }
0xa6: {  	s4 =	sshll.u32 s26, $0x1;
	_ =	strace $0x80000049;
	[dreg:$0x1] =	wrdreg $0xFFFFFFFF  }
0xa7: {  	s28 =	simm.s32 $_size_execute0_lowered;
	s2 =	sadd.s32 s2, s4;
	[dreg:$0x0] =	wrdreg $0x0  }
0xa8: {  	s4 =	sshll.u32 s28, $0x1;
	[dreg:$0x2] =	wrdreg s2  }
0xa9: {  	[dreg:$0x3] =	wrdreg s4  }
0xaa: {  	[dreg:$0x4] =	wrdreg $0xC0  }
0xab: {  	_ =	task [dreg:s6], $0x5FFFF  }
0xac: {  	[dreg:$0x1] =	wrdreg $0xFFFFFFFF  }
0xad: {  	[dreg:$0x0] =	wrdreg $0x60  }
0xae: {  	[dreg:$0x2] =	wrdreg s24  }
0xaf: {  	[dreg:$0x3] =	wrdreg $0x120000  }
0xb0: {  	[dreg:$0x4] =	wrdreg $0x9  }
0xb1: {  	_ =	task.clear_ibuf [dreg:s6], $0x5FFFF;
	_ =	strace $0x90000049  }
0xb2: {  	s29 =	simm.s32 $0x9;
	_ =	strace $0x8000004B  }
0xb3: {  	_ =	swait.ge [sflag:s29], $0x1  }
0xb4: {  	[sflag:s29] =	ssyncadd.s32 $0xFFFFFFFF  }
0xb5: {  	_ =	strace $0x9000004B  }
0xb6: {  	_ =	sfence  }
0xb7: {  	s30 =	sld [smem:$0x0];
	_ =	sdelay $0x2  }
0xb8: {  	s31 =	sshll.u32 s1, $0xD;
	s1 =	sshrl.u32 s1, $0x2  }
0xb9: {  	s3 =	sand.u32 $0x4000, s31;
	s1 =	sadd.s32 s1, s30  }
0xba: {  	s0 =	sor.u32 s3, s0;
	s1 =	sshll.u32 s1, $0x11  }
0xbb: {  	s0 =	sor.u32 s1, s0  }
0xbc: {  	s0 =	sadd.s32 $0x8F2B, s0  }
0xbd: {  	[sflag:s0] =	ssyncadd.remote.s32 $0x1  }
0xbe: {  	_ =	sfence.sel $0xFFFF  }
0xbf: {  	[dreg:$0x0] =	wrdreg $0xFFFFFFFF;
	(pc) =	sbr.abs _section_cstart, $3  }
0xc0: {  	[dreg:$0x1] =	wrdreg $0xFFFFFFFF  }
0xc1: {  	_ =	task.clear_ibuf [dreg:s6], $0x2FFFF;
	_ =	strace $0x9FFFFFFF  }
0xc2: {  	(tm) =	ssettm $0x7FFFFFFF  }
0xc3: {  	_ =	shalt  }
tec
execute0_lowered:
.L_overlay_start_1:
0x0: {  	(tag) =	ssettag $0x1  }
0x1: {  	s0 =	rddreg [dreg:$0x0]  }
0x2: {  	s1 =	rddreg [dreg:$0x1];
	s7 =	stileid.u32  }
0x3: {  	s2 =	srdreg.scid;
	s3 =	simm.s32 $0x0;
	s5 =	smul.u32 $0xA00, s7  }
0x4: {  	s28 =	simm.s32 $0xC000;
	s29 =	simm.s32 $0x1;
	s9 =	smul.u32 $0xA000, s7  }
0x5: {  	s31 =	simm.s32 $0xE000;
	s2 =	sand.u32 $0x1, s2;
	s7 =	smul.u32 $0x28000, s7  }
0x6: {  	s30 =	simm.s32 $0x0;
	[smem:$0x7FF] =	sst s3;
	s4 =	smul.u32 $0x14000, s2  }
0x7: {  	_ =	strace $0x8000004A;
	s8 =	smul.u32 $0xA0000, s2;
	s2 =	ssub.s32 $0x2, s2  }
0x8: {  	s5 =	sadd.s32 s5, s0;
	s6 =	sshrl.u32 s2, $0x1;
	s14 =	sshrl.u32 s7, $0x2  }
0x9: {  	s17 =	sadd.s32 $0x2000, s9;
	s21 =	sadd.s32 $0x4000, s9;
	s22 =	sadd.s32 s9, s1  }
0xa: {  	s11 =	sadd.s32 $0x6000, s9;
	s4 =	sadd.s32 s4, s0;
	s0 =	sadd.s32 $0xB6400, s0  }
0xb: {  	s2 =	ssub.s32 s2, s6;
	s12 =	sadd.s32 $0xC400, s5;
	s13 =	sadd.s32 s8, s9  }
0xc: {  	s5 =	sadd.s32 $0x2400, s5;
	s6 =	sadd.s32 s14, s1;
	s20 =	sadd.s32 s8, s17  }
0xd: {  	s23 =	sadd.s32 s8, s21;
	s24 =	sadd.s32 s8, s11;
	[dreg:$0x3] =	wrdreg s12  }
0xe: {  	s9 =	sadd.s32 $0x8000, s9;
	s25 =	sadd.s32 s11, s1;
	[dreg:$0x4] =	wrdreg s5  }
0xf: {  	s10 =	sshrl.u32 s13, $0x3;
	s7 =	sadd.s32 $0x8E400, s4;
	s2 =	smax.u32 s2, $0x1  }
0x10: {  	s16 =	sadd.s32 $0x2000, s6;
	s18 =	sadd.s32 $0x4000, s6;
	[dreg:$0x6] =	wrdreg s2  }
0x11: {  	s19 =	sadd.s32 $0x6000, s6;
	s5 =	sadd.s32 $0x8000, s6;
	[dreg:$0x7] =	wrdreg s16  }
0x12: {  	s4 =	sshrl.u32 s20, $0x3;
	s8 =	sadd.s32 s8, s9;
	[dreg:$0x8] =	wrdreg s18  }
0x13: {  	s26 =	sadd.s32 s9, s1;
	s20 =	simm.s32 $0xA000;
	[dreg:$0x9] =	wrdreg s19  }
0x14: {  	s15 =	sadd.s32 s0, s10;
	[dreg:$0xa] =	wrdreg s5;
	s14 =	sadd.s32 s0, s4  }
0x15: {  	s2 =	sadd.s32 s17, s1;
	s4 =	sshrl.u32 s23, $0x3;
	s5 =	sadd.s32 s21, s1  }
0x16: {  	s8 =	sshrl.u32 s8, $0x3;
	s18 =	simm.s32 $0x3;
	s19 =	simm.s32 $0x5000  }
0x17: {  	s21 =	sshrl.u32 s22, $0x3;
	[dreg:$0x5] =	wrdreg s15;
	s15 =	sadd.s32 s0, s4  }
0x18: {  	s4 =	sshrl.u32 s24, $0x3;
	s17 =	sadd.s32 s0, s8;
	s22 =	sshrl.u32 s2, $0x3  }
0x19: {  	s23 =	sshrl.u32 s5, $0x3;
	s24 =	sshrl.u32 s25, $0x3;
	s25 =	sshrl.u32 s26, $0x3  }
0x1a: {  	v0 =	vimm.f32 $0.0e+00;
	s26 =	simm.s32 $0x80;
	s2 =	simm.s32 $0x2;
	s16 =	sadd.s32 s0, s4  }
.LBB2_1:
0x1b: {  	s0 =	rddreg [dreg:$0x3]  }
0x1c: {  	[tilespmem:s3], [sflag:$0x3] =	stream.linear.gather [hbm4b:s0+s3], $0x5000, $0x38;
	[tilespmem:$0x1C000] =	vst v63  }
0x1d: {  	_ =	swait.ge [sflag:s18], $0x5000  }
0x1e: {  	[sflag:s18] =	ssyncset.done $0x0  }
0x1f: {  	s13 =	rddreg [dreg:$0x4];
	[sflag:s18] =	ssyncadd.s32 $0xFFFFB000  }
0x20: {  	[tilespmem:s19], [sflag:$0x3] =	stream.linear.gather [hbm4b:s13+s3], $0x5000, $0x38;
	[tilespmem:$0x1C000] =	vst v63  }
0x21: {  	_ =	swait.ge [sflag:s18], $0x5000  }
0x22: {  	[sflag:s18] =	ssyncset.done $0x0  }
0x23: {  	s4 =	simm.s32 $0x100;
	s0 =	simm.s32 $0x0;
	[sflag:s18] =	ssyncadd.s32 $0xFFFFB000  }
.LBB2_2:
0x24: {  	p0 =	sne.s32 s4, $0x7F00;
	[tilespmem:s0+$0xA030] =	vst v0;
	s5 =	smov.u32 s4;
	s4 =	sadd.s32 $0x100, s4  }
.Ltmp0:
0x25: {  	[tilespmem:s0+$0xA020] =	vst v0;
	(pc) =	sbr.rel @p0 .LBB2_2-.Ltmp0, $3  }
0x26: {  	[tilespmem:s0+$0xA000] =	vst v0  }
0x27: {  	[tilespmem:s0+$0xA010] =	vst v0;
	_ =	sdelay $0x1  }
0x28: {  	s0 =	sshra.s32 s5, $0x2  }
0x29: {  	[tilespmem:s0+$0xA030] =	vst v0  }
0x2a: {  	[tilespmem:s0+$0xA020] =	vst v0  }
0x2b: {  	[tilespmem:s0+$0xA000] =	vst v0  }
0x2c: {  	[tilespmem:s0+$0xA010] =	vst v0  }
0x2d: {  	[spmem:s6] =	stream.linear.scatter [tilespmem:s20], [sflag:$0x3], $0x2000, $0x38;
	[tilespmem:$0x1C000] =	vst v63  }
0x2e: {  	_ =	swait.ge [sflag:s18], $0x2000  }
0x2f: {  	[sflag:s18] =	ssyncset.done $0x0  }
0x30: {  	s12 =	rddreg [dreg:$0x7];
	[sflag:s18] =	ssyncadd.s32 $0xFFFFE000  }
0x31: {  	[spmem:s12] =	stream.linear.scatter [tilespmem:s20], [sflag:$0x3], $0x2000, $0x38;
	[tilespmem:$0x1C000] =	vst v63  }
0x32: {  	_ =	swait.ge [sflag:s18], $0x2000  }
0x33: {  	[sflag:s18] =	ssyncset.done $0x0  }
0x34: {  	s13 =	rddreg [dreg:$0x8];
	[sflag:s18] =	ssyncadd.s32 $0xFFFFE000  }
0x35: {  	[spmem:s13] =	stream.linear.scatter [tilespmem:s20], [sflag:$0x3], $0x2000, $0x38;
	[tilespmem:$0x1C000] =	vst v63  }
0x36: {  	_ =	swait.ge [sflag:s18], $0x2000  }
0x37: {  	[sflag:s18] =	ssyncset.done $0x0  }
0x38: {  	s4 =	rddreg [dreg:$0x9];
	[sflag:s18] =	ssyncadd.s32 $0xFFFFE000  }
0x39: {  	[spmem:s4] =	stream.linear.scatter [tilespmem:s20], [sflag:$0x3], $0x2000, $0x38;
	[tilespmem:$0x1C000] =	vst v63  }
0x3a: {  	_ =	swait.ge [sflag:s18], $0x2000  }
0x3b: {  	[sflag:s18] =	ssyncset.done $0x0  }
0x3c: {  	s5 =	rddreg [dreg:$0xa];
	[sflag:s18] =	ssyncadd.s32 $0xFFFFE000  }
0x3d: {  	[spmem:s5] =	stream.linear.scatter [tilespmem:s20], [sflag:$0x3], $0x2000, $0x38;
	[tilespmem:$0x1C000] =	vst v63  }
0x3e: {  	_ =	swait.ge [sflag:s18], $0x2000  }
0x3f: {  	[sflag:s18] =	ssyncset.done $0x0  }
0x40: {  	[sflag:s18] =	ssyncadd.s32 $0xFFFFE000  }
0x41: {  	[bflag:$0x0] =	sbarrier.arrive $0xFFFF  }
0x42: {  	[tilespmem:s20], [sflag:$0x1] =	stream.indirect.gather [hbm4b:s7+s26], $0x40, s3, s26, $0xb8;
	[tilespmem:$0x1C000] =	vst v63  }
0x43: {  	_ = 	snop  }
0x44: {  	[tilespmem:s28], [sflag:$0x1] =	stream.indirect.gather [hbm4b:s7+s26], $0x40, s26, s26, $0xb8;
	[tilespmem:$0x1C000] =	vst v63  }
0x45: {  	_ =	swait.ge [sflag:s29], $0x2000  }
0x46: {  	[sflag:s29] =	ssyncset.done $0x0  }
0x47: {  	[sflag:s29] =	ssyncadd.s32 $0xFFFFE000  }
0x48: {  	[spmem:s1] =	stream.indirect.scatter.add.f32 [tilespmem:s20], [sflag:$0x2], $0x40, s19, s26, $0xb8;
	[tilespmem:$0x1C000] =	vst v63  }
0x49: {  	s8 =	simm.s32 $0x100  }
0x4a: {  	[tilespmem:s31], [sflag:$0x1] =	stream.indirect.gather [hbm4b:s7+s26], $0x40, s8, s26, $0xb8;
	[tilespmem:$0x1C000] =	vst v63  }
0x4b: {  	_ =	swait.ge [sflag:s29], $0x2000  }
0x4c: {  	[sflag:s29] =	ssyncset.done $0x0  }
0x4d: {  	s9 =	simm.s32 $0x5080;
	s10 =	simm.s32 $0x180;
	[sflag:s29] =	ssyncadd.s32 $0xFFFFE000  }
0x4e: {  	[spmem:s1] =	stream.indirect.scatter.add.f32 [tilespmem:s28], [sflag:$0x2], $0x40, s9, s26, $0xb8;
	[tilespmem:$0x1C000] =	vst v63  }
0x4f: {  	s11 =	simm.s32 $0x5100;
	p0 =	por $0x0, $0x0;
	s4 =	simm.s32 $0x10000  }
0x50: {  	[tilespmem:s4], [sflag:$0x1] =	stream.indirect.gather [hbm4b:s7+s26], $0x40, s10, s26, $0xb8;
	[tilespmem:$0x1C000] =	vst v63  }
0x51: {  	s0 =	simm.s32 $0x8000;
	s12 =	simm.s32 $0x6000;
	_ =	swait.ge [sflag:s29], $0x2000  }
0x52: {  	p1 =	por p0, p0;
	s13 =	sand.u32 $0x6000, s12;
	[sflag:s29] =	ssyncset.done $0x0  }
0x53: {  	s5 =	simm.s32 $0x200;
	s9 =	simm.s32 @!p1 $0x2;
	[sflag:s29] =	ssyncadd.s32 $0xFFFFE000  }
0x54: {  	[spmem:s1] =	stream.indirect.scatter.add.f32 [tilespmem:s31], [sflag:$0x2], $0x40, s11, s26, $0xb8;
	[tilespmem:$0x1C000] =	vst v63  }
0x55: {  	s8 =	sand.u32 @!p0 $0x6000, s0;
	s0 =	simm.s32 $0xA000;
	_ =	swait.ge @!p1 [sflag:s9], $0x2000  }
0x56: {  	s4 =	simm.s32 $0x5180;
	s10 =	sadd.s32 @!p0 $0xA000, s8;
	[sflag:s9] =	ssyncset.done @!p1 $0x0  }
0x57: {  	p0 =	por $0x0, $0x0;
	[sflag:s9] =	ssyncadd.s32 @!p1 $0xFFFFE000;
	s9 =	simm.s32 @!p1 $0x80  }
0x58: {  	[tilespmem:s10], [sflag:$0x1] =	stream.indirect.gather @!p1 [hbm4b:s7+s9], $0x40, s5, s9, $0xb8;
	[tilespmem:$0x1C000] =	vst v63  }
0x59: {  	s8 =	simm.s32 $0xC000;
	s11 =	sand.u32 @!p0 $0x6000, s0;
	_ =	swait.ge [sflag:s29], $0x2000  }
0x5a: {  	s10 =	sadd.s32 @!p0 $0xA000, s11;
	s5 =	simm.s32 $0x5200;
	[sflag:s29] =	ssyncset.done $0x0  }
0x5b: {  	s11 =	sadd.s32 $0xA000, s13;
	s9 =	simm.s32 $0x280;
	[sflag:s29] =	ssyncadd.s32 $0xFFFFE000  }
.LBB2_4:
0x5c: {  	[spmem:s1] =	stream.indirect.scatter.add.f32 [tilespmem:s11], [sflag:$0x2], $0x40, s4, s26, $0xb8;
	[tilespmem:$0x1C000] =	vst v63  }
0x5d: {  	s11 =	smov.u32 s8  }
0x5e: {  	s12 =	smov.u32 s10;
	s4 =	smov.u32 s5;
	p2 =	por p0, p0  }
0x5f: {  	s8 =	sadd.s32 $0x2000, s8;
	p0 =	seq.s32 s11, $0x140000;
	s13 =	simm.s32 @!p2 $0x2  }
0x60: {  	p1 =	sne.s32 s8, $0x142000;
	s10 =	sand.u32 @!p0 $0x6000, s11;
	_ =	swait.ge @!p2 [sflag:s13], $0x2000  }
0x61: {  	s10 =	sadd.s32 @!p0 $0xA000, s10;
	[sflag:s13] =	ssyncset.done @!p2 $0x0  }
.Ltmp1:
0x62: {  	[sflag:s13] =	ssyncadd.s32 @!p2 $0xFFFFE000;
	s13 =	simm.s32 @!p2 $0x80;
	(pc) =	sbr.rel @p1 .LBB2_4-.Ltmp1, $4  }
0x63: {  	[tilespmem:s12], [sflag:$0x1] =	stream.indirect.gather @!p2 [hbm4b:s7+s13], $0x40, s9, s13, $0xb8;
	[tilespmem:$0x1C000] =	vst v63  }
0x64: {  	s12 =	sadd.s32 $0xFFFFE000, s0;
	s0 =	smov.u32 s11;
	_ =	swait.ge [sflag:s29], $0x2000  }
0x65: {  	s5 =	sadd.s32 $0x80, s5;
	s11 =	sand.u32 $0x6000, s12;
	[sflag:s29] =	ssyncset.done $0x0  }
0x66: {  	s9 =	sadd.s32 $0x80, s9;
	s11 =	sadd.s32 $0xA000, s11;
	[sflag:s29] =	ssyncadd.s32 $0xFFFFE000  }
0x67: {  	[spmem:s1] =	stream.indirect.scatter.add.f32 [tilespmem:s11], [sflag:$0x2], $0x40, s4, s26, $0xb8;
	[tilespmem:$0x1C000] =	vst v63  }
0x68: {  	p0 =	por p0, p0  }
0x69: {  	s4 =	simm.s32 @!p0 $0x2  }
0x6a: {  	_ =	swait.ge @!p0 [sflag:s4], $0x2000  }
0x6b: {  	[sflag:s4] =	ssyncset.done @!p0 $0x0  }
0x6c: {  	[sflag:s4] =	ssyncadd.s32 @!p0 $0xFFFFE000;
	s4 =	simm.s32 @!p0 $0x80  }
0x6d: {  	[tilespmem:s10], [sflag:$0x1] =	stream.indirect.gather @!p0 [hbm4b:s7+s4], $0x40, s9, s4, $0xb8;
	[tilespmem:$0x1C000] =	vst v63  }
0x6e: {  	s0 =	sadd.s32 $0xFFFFE000, s0;
	_ =	swait.ge [sflag:s29], $0x2000  }
0x6f: {  	s0 =	sand.u32 $0x6000, s0;
	[sflag:s29] =	ssyncset.done $0x0  }
0x70: {  	s0 =	sadd.s32 $0xA000, s0;
	[sflag:s29] =	ssyncadd.s32 $0xFFFFE000  }
0x71: {  	[spmem:s1] =	stream.indirect.scatter.add.f32 [tilespmem:s0], [sflag:$0x2], $0x40, s5, s26, $0xb8;
	[tilespmem:$0x1C000] =	vst v63  }
0x72: {  	_ =	swait.ge [sflag:s2], $0x2000  }
0x73: {  	[sflag:s2] =	ssyncset.done $0x0  }
0x74: {  	[sflag:s2] =	ssyncadd.s32 $0xFFFFE000  }
0x75: {  	_ =	swait.ge [sflag:s2], $0x2000  }
0x76: {  	[sflag:s2] =	ssyncset.done $0x0  }
0x77: {  	[sflag:s2] =	ssyncadd.s32 $0xFFFFE000  }
0x78: {  	_ =	swait.ge [sflag:s2], $0x2000  }
0x79: {  	[sflag:s2] =	ssyncset.done $0x0  }
0x7a: {  	[sflag:s2] =	ssyncadd.s32 $0xFFFFE000  }
0x7b: {  	_ =	swait.ge [sflag:s2], $0x2000  }
0x7c: {  	[sflag:s2] =	ssyncset.done $0x0  }
0x7d: {  	s11 =	stileid.u32;
	[sflag:s2] =	ssyncadd.s32 $0xFFFFE000  }
0x7e: {  	s0 =	sshll.u32 s11, $0x6;
	[bflag:$0x0] =	sbarrier.arrive $0xFFFF  }
0x7f: {  	s0 =	sor.u32 $0x1C03, s0;
	s12 =	rddreg [dreg:$0x5]  }
0x80: {  	[hbm:s12], [sflag:s0] =	dma.local [spmem:s21], $0x400  }
0x81: {  	_ =	swait.ge [sflag:s18], $0x400  }
0x82: {  	[sflag:s18] =	ssyncset.done $0x0  }
0x83: {  	[sflag:s18] =	ssyncadd.s32 $0xFFFFFC00  }
0x84: {  	[hbm:s14], [sflag:s0] =	dma.local [spmem:s22], $0x400  }
0x85: {  	_ =	swait.ge [sflag:s18], $0x400  }
0x86: {  	[sflag:s18] =	ssyncset.done $0x0  }
0x87: {  	[sflag:s18] =	ssyncadd.s32 $0xFFFFFC00  }
0x88: {  	[hbm:s15], [sflag:s0] =	dma.local [spmem:s23], $0x400  }
0x89: {  	_ =	swait.ge [sflag:s18], $0x400  }
0x8a: {  	[sflag:s18] =	ssyncset.done $0x0  }
0x8b: {  	[sflag:s18] =	ssyncadd.s32 $0xFFFFFC00  }
0x8c: {  	[hbm:s16], [sflag:s0] =	dma.local [spmem:s24], $0x400  }
0x8d: {  	_ =	swait.ge [sflag:s18], $0x400  }
0x8e: {  	[sflag:s18] =	ssyncset.done $0x0  }
0x8f: {  	[sflag:s18] =	ssyncadd.s32 $0xFFFFFC00  }
0x90: {  	[hbm:s17], [sflag:s0] =	dma.local [spmem:s25], $0x400  }
0x91: {  	_ =	swait.ge [sflag:s18], $0x400  }
0x92: {  	s30 =	sadd.s32 $0x1, s30;
	s13 =	rddreg [dreg:$0x6]  }
0x93: {  	p0 =	sne.s32 s30, s13  }
.Ltmp2:
0x94: {  	_ = 	snop;
	(pc) =	sbr.rel @p0 .LBB2_1-.Ltmp2, $3  }
0x95: {  	_ =	sdelay $0x1  }
0x96: {  	[sflag:s18] =	ssyncset.done $0x0  }
0x97: {  	[sflag:s18] =	ssyncadd.s32 $0xFFFFFC00  }
0x98: {  	_ =	sfence.sel $0x180000  }
0x99: {  	[bflag:$0x0] =	sbarrier.arrive $0xFFFF  }
0x9a: {  	_ =	strace $0x9000004A  }
0x9b: {  	s0 =	stileid.u32;
	[bflag:$0x2] =	sbarrier.arrive $0xFFFF  }
0x9c: {  	p0 =	sne.s32 s0, $0x0;
	s0 =	rddreg [dreg:$0x2]  }
0x9d: {  	s0 =	sadd.s32 @!p0 $0x100000, s0  }
0x9e: {  	[sflag:s0] =	ssyncadd.tile.s32 @!p0 $0x1;
	_ =	shalt  }
.Lfunc_end2:
_tile_overlayer_lowered:
.L_overlay_start_2:
0x9f: {  	(tag) =	ssettag $0x2  }
0xa0: {  	s0 =	rddreg [dreg:$0x0];
	s2 =	stileid.u32  }
0xa1: {  	s1 =	rddreg [dreg:$0x1];
	p0 =	sne.s32 s2, $0x0  }
0xa2: {  	s3 =	rddreg [dreg:$0x2];
	[bflag:$0x3] =	sbarrier.arrive $0xFFFF;
	s2 =	simm.s32 @!p0 $0x1C03  }
0xa3: {  	[timem:s3], [sflag:s2] =	dma.local @!p0 [hbm:s0], s1  }
0xa4: {  	s0 =	simm.s32 @!p0 $0x3  }
0xa5: {  	_ =	swait.ge @!p0 [sflag:s0], s1  }
0xa6: {  	s1 =	ssub.s32 @!p0 $0x0, s1;
	[sflag:s0] =	ssyncset.done @!p0 $0x0  }
0xa7: {  	[sflag:s0] =	ssyncadd.s32 @!p0 s1  }
0xa8: {  	[bflag:$0x3] =	sbarrier.arrive $0xFFFF  }
0xa9: {  	_ =	shalt  }

// kernel: kernel.14.cloned.1.call-start
scs
__scs_entry_jumppad:
0x0: {  	(pc) =	sbr.rel $0x88, $3  }
0x1: {  	(tag) =	ssettag $0x0;
	lr =	simm.s32 $0x1  }
0x2: {  	[smem:$0x3F9B] =	sst lr;
	_ =	strace $0xD0000000  }
0x3: {  	_ = 	snop  }
0x4: {  	_ = 	snop  }
0x5: {  	_ = 	snop  }
0x6: {  	_ = 	snop  }
0x7: {  	_ = 	snop  }
__scs_overlays_trampoline_lowered:
0x8: {  	[smem:$0x3FAA] =	sst s0  }
0x9: {  	[smem:$0x3FAB] =	sst s1  }
0xa: {  	[smem:$0x3FAC] =	sst s2  }
0xb: {  	[smem:$0x3FAD] =	sst s3  }
0xc: {  	[smem:$0x3FAE] =	sst s4  }
0xd: {  	[smem:$0x3FAF] =	sst s5  }
0xe: {  	[smem:$0x3FB0] =	sst s6  }
0xf: {  	[smem:$0x3FB1] =	sst s7  }
0x10: {  	[smem:$0x3FB2] =	sst s8  }
0x11: {  	[smem:$0x3FB3] =	sst s9;
	s0 =	simm.s32 @!p0 $0x0  }
0x12: {  	s1 =	sld [smem:$0x3F99];
	s0 =	simm.s32 @p0 $0x1  }
0x13: {  	[smem:$0x3FB4] =	sst s0;
	s0 =	simm.s32 @!p1 $0x0  }
0x14: {  	s2 =	sld [smem:$0x3F98];
	s0 =	simm.s32 @p1 $0x1  }
0x15: {  	[smem:$0x3FB5] =	sst s0;
	s0 =	simm.s32 @!p2 $0x0  }
0x16: {  	s3 =	sld [smem:$0x3FDB];
	s0 =	simm.s32 @p2 $0x1  }
0x17: {  	s4 =	simm.s32 $0x1BF5;
	[smem:$0x3FB7] =	sst s0  }
0x18: {  	s0 =	sld [smem:$0x3F9A];
	_ =	swait.ge [sflag:s4], $0x0  }
0x19: {  	s7 =	sld [smem:$0x3F9B]  }
0x1a: {  	s8 =	sadd.s32 $0xFFFFE003, lr  }
0x1b: {  	s9 =	sadd.s32 $0xFFFFFEF7, lr;
	s5 =	simm.s32 $0xFFFFFFFF;
	p2 =	slt.u32 s8, $0xFFFFF086  }
0x1c: {  	p1 =	slt.u32 s9, $0xF7A;
	s5 =	simm.s32 @!p2 $0x0  }
0x1d: {  	s5 =	simm.s32 @p1 $0x1;
	p0 =	seq.s32 s7, s2  }
0x1e: {  	s7 =	smul.u32 @!p0 $0xF7A, s2;
	p2 =	seq.s32 @!p0 s5, $0x0  }
0x1f: {  	s9 =	smul.u32 $0xF7A, s1;
	s8 =	simm.s32 @!p0 $0x1BF5;
	p2 =	por !p2, p0  }
0x20: {  	[sflag:s8] =	ssyncset.s32 @!p0 $0xFFFFF086;
	s6 =	sadd.s32 @!p0 s3, s7;
	s7 =	simm.s32 @!p0 $0x108  }
0x21: {  	s3 =	sadd.s32 s3, s9;
	s6 =	sadd.s32 @!p0 $0x88, s6;
	s7 =	simm.s32 @p2 $0x1082  }
0x22: {  	[simem:s7], [sflag:s8] =	dma.local @!p0 [hbm:s6], $0xF7A  }
0x23: {  	s9 =	sor.u32 $0xD0000000, s2;
	s6 =	simm.s32 $0x108;
	_ =	swait.ge @!p0 [sflag:s8], $0x0  }
0x24: {  	s3 =	sadd.s32 $0x88, s3;
	s6 =	simm.s32 @!p1 $0x1082;
	[sflag:s4] =	ssyncset.s32 $0xFFFFF086  }
0x25: {  	[simem:s6], [sflag:s4] =	dma.local [hbm:s3], $0xF7A  }
0x26: {  	[smem:$0x3F9B] =	sst s1;
	(tag) =	ssettag s2;
	_ =	strace s9  }
0x27: {  	s1 =	sld [smem:$0x3FAB]  }
0x28: {  	s2 =	sld [smem:$0x3FAC]  }
0x29: {  	s4 =	sld [smem:$0x3FAE]  }
0x2a: {  	p0 =	seq.s32 s5, $0x0;
	s5 =	sld [smem:$0x3FAF]  }
0x2b: {  	s6 =	sld [smem:$0x3FB0]  }
0x2c: {  	s7 =	sld [smem:$0x3FB1]  }
0x2d: {  	s3 =	simm.s32 $0x108;
	s8 =	sld [smem:$0x3FB2]  }
0x2e: {  	s3 =	simm.s32 @!p0 $0x1082;
	s9 =	sld [smem:$0x3FB3]  }
0x2f: {  	lr =	sadd.s32 s0, s3;
	s0 =	sld [smem:$0x3FAA]  }
0x30: {  	s3 =	sld [smem:$0x3FAD]  }
0x31: {  	[smem:$0x3FB6] =	sst s10  }
0x32: {  	s10 =	sld [smem:$0x3FB4];
	_ =	sdelay $0x3  }
0x33: {  	p0 =	seq.s32 s10, $0x1;
	s10 =	sld [smem:$0x3FB6];
	_ =	sdelay $0x3  }
0x34: {  	[smem:$0x3FB6] =	sst s10  }
0x35: {  	s10 =	sld [smem:$0x3FB5];
	_ =	sdelay $0x3  }
0x36: {  	p1 =	seq.s32 s10, $0x1;
	s10 =	sld [smem:$0x3FB6];
	_ =	sdelay $0x3  }
0x37: {  	[smem:$0x3FB6] =	sst s10  }
0x38: {  	s10 =	sld [smem:$0x3FB7]  }
0x39: {  	_ = 	snop;
	(pc) =	sbr.ind lr, $3  }
0x3a: {  	_ = 	snop  }
0x3b: {  	_ = 	snop  }
0x3c: {  	p2 =	seq.s32 s10, $0x1;
	s10 =	sld [smem:$0x3FB6]  }
0x3d: {  	_ =	shalt  }
0x3e: {  	_ =	shalt  }
0x3f: {  	_ =	shalt  }
0x40: {  	_ =	shalt  }
0x41: {  	_ =	shalt  }
0x42: {  	_ =	shalt  }
0x43: {  	_ =	shalt  }
0x44: {  	_ =	shalt  }
0x45: {  	_ =	shalt  }
0x46: {  	_ =	shalt  }
0x47: {  	_ =	shalt  }
0x48: {  	_ =	shalt  }
0x49: {  	_ =	shalt  }
0x4a: {  	_ =	shalt  }
0x4b: {  	_ =	shalt  }
0x4c: {  	_ =	shalt  }
0x4d: {  	_ =	shalt  }
0x4e: {  	_ =	shalt  }
0x4f: {  	_ =	shalt  }
0x50: {  	_ =	shalt  }
0x51: {  	_ =	shalt  }
0x52: {  	_ =	shalt  }
0x53: {  	_ =	shalt  }
0x54: {  	_ =	shalt  }
0x55: {  	_ =	shalt  }
0x56: {  	_ =	shalt  }
0x57: {  	_ =	shalt  }
0x58: {  	_ =	shalt  }
0x59: {  	_ =	shalt  }
0x5a: {  	_ =	shalt  }
0x5b: {  	_ =	shalt  }
0x5c: {  	_ =	shalt  }
0x5d: {  	_ =	shalt  }
0x5e: {  	_ =	shalt  }
0x5f: {  	_ =	shalt  }
0x60: {  	_ =	shalt  }
0x61: {  	_ =	shalt  }
0x62: {  	_ =	shalt  }
0x63: {  	_ =	shalt  }
0x64: {  	_ =	shalt  }
0x65: {  	_ =	shalt  }
0x66: {  	_ =	shalt  }
0x67: {  	_ =	shalt  }
0x68: {  	_ =	shalt  }
0x69: {  	_ =	shalt  }
0x6a: {  	_ =	shalt  }
0x6b: {  	_ =	shalt  }
0x6c: {  	_ =	shalt  }
0x6d: {  	_ =	shalt  }
0x6e: {  	_ =	shalt  }
0x6f: {  	_ =	shalt  }
0x70: {  	_ =	shalt  }
0x71: {  	_ =	shalt  }
0x72: {  	_ =	shalt  }
0x73: {  	_ =	shalt  }
0x74: {  	_ =	shalt  }
0x75: {  	_ =	shalt  }
0x76: {  	_ =	shalt  }
0x77: {  	_ =	shalt  }
0x78: {  	_ =	shalt  }
0x79: {  	_ =	shalt  }
0x7a: {  	_ =	shalt  }
0x7b: {  	_ =	shalt  }
0x7c: {  	_ =	shalt  }
0x7d: {  	_ =	shalt  }
0x7e: {  	_ =	shalt  }
0x7f: {  	_ =	shalt  }
0x80: {  	_ =	shalt  }
0x81: {  	_ =	shalt  }
0x82: {  	_ =	shalt  }
0x83: {  	_ =	shalt  }
0x84: {  	_ =	shalt  }
0x85: {  	_ =	shalt  }
0x86: {  	_ =	shalt  }
0x87: {  	_ =	shalt  }
.Lfunc_end0:
.L_simem_size_0:
called_computation.2_lowered:
.L_overlay_start_0:
0x88: {  	s2 =	sld [smem:$0x3FD9]  }
0x89: {  	s3 =	sld [smem:$0x3FFE];
	_ =	sdelay $0x1  }
0x8a: {  	s1 =	srdreg.scid  }
0x8b: {  	s0 =	sand.u32 $0x1, s1  }
0x8c: {  	s17 =	sshll.u32 s0, $0xA;
	s2 =	sadd.s32 s3, s2  }
0x8d: {  	s2 =	sadd.s32 s2, s17  }
0x8e: {  	[smem:$0x3FC2] =	sst s2  }
0x8f: {  	_ = 	snop  }
0x90: {  	s2 =	sld [smem:$0x3FD0];
	(tm) =	ssettm $0x1  }
0x91: {  	s18 =	sld [smem:$0x3FFB];
	_ =	sdelay $0x3  }
0x92: {  	_ =	strace s18  }
0x93: {  	s3 =	sld [smem:$0x3FFC];
	_ =	sdelay $0x3  }
0x94: {  	_ =	strace s3  }
0x95: {  	s3 =	sld [smem:$0x3FFD];
	_ =	sdelay $0x3  }
0x96: {  	_ =	strace s3  }
0x97: {  	_ =	strace $0x8FFFFFFF  }
0x98: {  	s19 =	sld [smem:$0x3FDB];
	_ =	sdelay $0x1  }
0x99: {  	s4 =	simm.s32 $_scs_section_size  }
0x9a: {  	s5 =	simm.s32 $_size__tile_overlayer_lowered;
	s6 =	simm.s32 $_tile_overlayer_lowered  }
0x9b: {  	s22 =	simm.s32 $0x1BFF;
	s21 =	sshll.u32 s6, $0x1;
	s3 =	sadd.s32 s4, s19  }
0x9c: {  	s7 =	simm.s32 $0x0;
	s20 =	sshll.u32 s5, $0x1;
	s5 =	sadd.s32 s21, s3  }
0x9d: {  	[timem:s7], [sflag:s22] =	dma.local [hbm:s5], s20  }
0x9e: {  	_ =	swait.ge [sflag:s22], s20  }
0x9f: {  	s4 =	ssub.s32 $0x0, s20;
	[sflag:s22] =	ssyncset.done $0x0  }
0xa0: {  	[sflag:s22] =	ssyncadd.s32 s4;
	_ =	sdelay $0x1  }
0xa1: {  	s23 =	simm.s32 $0x1B8B  }
0xa2: {  	_ =	swait.ge [sflag:s23], $0x1  }
0xa3: {  	[sflag:s23] =	ssyncset.done $0x0  }
0xa4: {  	s25 =	simm.s32 $0x1B8E;
	s24 =	sld [smem:$0x3FFE];
	[sflag:s23] =	ssyncadd.s32 $0xFFFFFFFF  }
0xa5: {  	s26 =	simm.s32 $execute0_lowered;
	[smem:$0x3FD2] =	sst s25  }
0xa6: {  	s5 =	sshll.u32 s26, $0x1;
	_ =	strace $0x8000004C;
	[dreg:$0x1] =	wrdreg $0xFFFFFFFF  }
0xa7: {  	s28 =	simm.s32 $_size_execute0_lowered;
	s3 =	sadd.s32 s3, s5;
	[dreg:$0x0] =	wrdreg $0x0  }
0xa8: {  	s5 =	sshll.u32 s28, $0x1;
	[dreg:$0x2] =	wrdreg s3  }
0xa9: {  	[dreg:$0x3] =	wrdreg s5  }
0xaa: {  	[dreg:$0x4] =	wrdreg $0xC0  }
0xab: {  	_ =	task [dreg:s7], $0x5FFFF  }
0xac: {  	[dreg:$0x1] =	wrdreg $0xFFFFFFFF  }
0xad: {  	[dreg:$0x0] =	wrdreg $0x60  }
0xae: {  	[dreg:$0x2] =	wrdreg s2  }
0xaf: {  	[dreg:$0x3] =	wrdreg s24  }
0xb0: {  	[dreg:$0x4] =	wrdreg $0x9  }
0xb1: {  	_ =	task.clear_ibuf [dreg:s7], $0x5FFFF;
	_ =	strace $0x9000004C  }
0xb2: {  	s29 =	simm.s32 $0x9;
	_ =	strace $0x8000004E  }
0xb3: {  	_ =	swait.ge [sflag:s29], $0x1  }
0xb4: {  	[sflag:s29] =	ssyncadd.s32 $0xFFFFFFFF  }
0xb5: {  	_ =	strace $0x9000004E  }
0xb6: {  	_ =	sfence  }
0xb7: {  	s30 =	sld [smem:$0x0];
	_ =	sdelay $0x2  }
0xb8: {  	s31 =	sshll.u32 s1, $0xD;
	s1 =	sshrl.u32 s1, $0x2  }
0xb9: {  	s3 =	sand.u32 $0x4000, s31;
	s1 =	sadd.s32 s1, s30  }
0xba: {  	s0 =	sor.u32 s3, s0;
	s1 =	sshll.u32 s1, $0x11  }
0xbb: {  	s0 =	sor.u32 s1, s0  }
0xbc: {  	s0 =	sadd.s32 $0x8F2B, s0  }
0xbd: {  	[sflag:s0] =	ssyncadd.remote.s32 $0x1  }
0xbe: {  	_ =	sfence.sel $0xFFFF  }
0xbf: {  	[dreg:$0x0] =	wrdreg $0xFFFFFFFF;
	(pc) =	sbr.abs _section_cstart, $3  }
0xc0: {  	[dreg:$0x1] =	wrdreg $0xFFFFFFFF  }
0xc1: {  	_ =	task.clear_ibuf [dreg:s7], $0x2FFFF;
	_ =	strace $0x9FFFFFFF  }
0xc2: {  	(tm) =	ssettm $0x7FFFFFFF  }
0xc3: {  	_ =	shalt  }
tec
execute0_lowered:
.L_overlay_start_1:
0x0: {  	(tag) =	ssettag $0x1  }
0x1: {  	s2 =	rddreg [dreg:$0x0]  }
0x2: {  	s0 =	srdreg.scid;
	s6 =	rddreg [dreg:$0x1];
	s3 =	simm.s32 $0x0  }
0x3: {  	s9 =	simm.s32 $0x2800;
	s10 =	simm.s32 $0x5000;
	s4 =	sand.u32 $0x1, s0  }
0x4: {  	s11 =	simm.s32 $0x7800;
	s0 =	stileid.u32;
	s1 =	sshll.u32 s4, $0x4  }
0x5: {  	s12 =	simm.s32 $0x80;
	s13 =	simm.s32 $0x400;
	s5 =	sor.u32 s0, s1  }
0x6: {  	s14 =	simm.s32 $0x0;
	[smem:$0x7FF] =	sst s3;
	s1 =	sshrl.u32 s5, $0x3  }
0x7: {  	s8 =	sshll.u32 s0, $0x7;
	s4 =	ssub.s32 $0x2, s4;
	s7 =	smul.u32 $0x14000, s1  }
0x8: {  	s8 =	sand.u32 $0x380, s8;
	s31 =	sshrl.u32 s4, $0x1;
	s5 =	smul.u32 $0x500, s5  }
0x9: {  	s1 =	rddreg [dreg:$0x2];
	_ =	strace $0x8000004D;
	s7 =	sor.u32 s8, s7  }
0xa: {  	s5 =	sadd.s32 s5, s6;
	s8 =	simm.s32 $0x1;
	s7 =	sshrl.u32 s7, $0x3  }
0xb: {  	s6 =	sadd.s32 s7, s6;
	s7 =	ssub.s32 s4, s31;
	s4 =	sadd.s32 $0xC400, s5  }
0xc: {  	v0 =	vimm.f32 $0.0e+00;
	s5 =	sadd.s32 $0x2400, s5;
	s6 =	sadd.s32 $0x16400, s6;
	s7 =	smax.u32 s7, $0x1  }
.LBB2_1:
0xd: {  	[tilespmem:s3], [sflag:$0x1] =	stream.linear.gather [hbm4b:s4+s3], $0x2800, $0x38;
	[tilespmem:$0xA000] =	vst v63  }
0xe: {  	_ =	swait.ge [sflag:s8], $0x2800  }
0xf: {  	[sflag:s8] =	ssyncset.done $0x0  }
0x10: {  	[sflag:s8] =	ssyncadd.s32 $0xFFFFD800  }
0x11: {  	[tilespmem:s9], [sflag:$0x1] =	stream.linear.gather [hbm4b:s5+s3], $0x2800, $0x38;
	[tilespmem:$0xA000] =	vst v63  }
0x12: {  	_ =	swait.ge [sflag:s8], $0x2800  }
0x13: {  	[sflag:s8] =	ssyncset.done $0x0  }
0x14: {  	[sflag:s8] =	ssyncadd.s32 $0xFFFFD800  }
0x15: {  	[tilespmem:s10], [sflag:$0x1] =	stream.linear.gather [hbm4b:s2+s3], $0x2800, $0x38;
	[tilespmem:$0xA000] =	vst v63  }
0x16: {  	_ =	swait.ge [sflag:s8], $0x2800  }
0x17: {  	[sflag:s8] =	ssyncset.done $0x0  }
0x18: {  	s15 =	simm.s32 $0x0;
	[sflag:s8] =	ssyncadd.s32 $0xFFFFD800  }
.LBB2_2:
0x19: {  	p0 =	sne.s32 s15, $0x9FC0  }
.Ltmp0:
0x1a: {  	_ = 	snop;
	(pc) =	sbr.rel @p0 .LBB2_2-.Ltmp0, $3  }
0x1b: {  	_ =	sdelay $0x1  }
0x1c: {  	s16 =	sshra.s32 s15, $0x2  }
0x1d: {  	s15 =	sadd.s32 $0x40, s15;
	[tilespmem:s16+$0x7800] =	vst v0  }
0x1e: {  	s15 =	simm.s32 $0x0  }
.LBB2_4:
0x1f: {  	s16 =	sshra.s32 s15, $0x2  }
0x20: {  	v1 =	vld [tilespmem:s16+$0x0];
	_ =	sdelay $0x4  }
0x21: {  	v2 =	vld [tilespmem:s16+$0x2800];
	_ =	sdelay $0x2  }
0x22: {  	v1 =	vld.idx.msk [tilespmem:v1+s10+$0x0], $0xffff;
	_ =	sdelay $0x4  }
0x23: {  	[tilespmem:v2+s11+$0x0] =	vst.idx.add.f32.msk $0xffff, v1  }
0x24: {  	v1 =	vld [tilespmem:s16+$0x10];
	_ =	sdelay $0x4  }
0x25: {  	v2 =	vld [tilespmem:s16+$0x2810];
	_ =	sdelay $0x2  }
0x26: {  	v1 =	vld.idx.msk [tilespmem:v1+s10+$0x0], $0xffff;
	_ =	sdelay $0x4  }
0x27: {  	[tilespmem:v2+s11+$0x0] =	vst.idx.add.f32.msk $0xffff, v1  }
0x28: {  	v1 =	vld [tilespmem:s16+$0x20];
	_ =	sdelay $0x4  }
0x29: {  	v2 =	vld [tilespmem:s16+$0x2820];
	_ =	sdelay $0x2  }
0x2a: {  	v1 =	vld.idx.msk [tilespmem:v1+s10+$0x0], $0xffff;
	_ =	sdelay $0x4  }
0x2b: {  	[tilespmem:v2+s11+$0x0] =	vst.idx.add.f32.msk $0xffff, v1  }
0x2c: {  	v1 =	vld [tilespmem:s16+$0x30];
	_ =	sdelay $0x4  }
0x2d: {  	v2 =	vld [tilespmem:s16+$0x2830];
	_ =	sdelay $0x2  }
0x2e: {  	v1 =	vld.idx.msk [tilespmem:v1+s10+$0x0], $0xffff;
	_ =	sdelay $0x4  }
0x2f: {  	[tilespmem:v2+s11+$0x0] =	vst.idx.add.f32.msk $0xffff, v1  }
0x30: {  	v1 =	vld [tilespmem:s16+$0x40];
	_ =	sdelay $0x4  }
0x31: {  	v2 =	vld [tilespmem:s16+$0x2840];
	_ =	sdelay $0x2  }
0x32: {  	v1 =	vld.idx.msk [tilespmem:v1+s10+$0x0], $0xffff;
	_ =	sdelay $0x4  }
0x33: {  	[tilespmem:v2+s11+$0x0] =	vst.idx.add.f32.msk $0xffff, v1  }
0x34: {  	v1 =	vld [tilespmem:s16+$0x50];
	_ =	sdelay $0x4  }
0x35: {  	v2 =	vld [tilespmem:s16+$0x2850];
	_ =	sdelay $0x2  }
0x36: {  	v1 =	vld.idx.msk [tilespmem:v1+s10+$0x0], $0xffff;
	_ =	sdelay $0x4  }
0x37: {  	[tilespmem:v2+s11+$0x0] =	vst.idx.add.f32.msk $0xffff, v1  }
0x38: {  	v1 =	vld [tilespmem:s16+$0x60];
	_ =	sdelay $0x4  }
0x39: {  	v2 =	vld [tilespmem:s16+$0x2860];
	_ =	sdelay $0x2  }
0x3a: {  	v1 =	vld.idx.msk [tilespmem:v1+s10+$0x0], $0xffff;
	_ =	sdelay $0x4  }
0x3b: {  	[tilespmem:v2+s11+$0x0] =	vst.idx.add.f32.msk $0xffff, v1  }
0x3c: {  	v1 =	vld [tilespmem:s16+$0x70];
	_ =	sdelay $0x4  }
0x3d: {  	v2 =	vld [tilespmem:s16+$0x2870];
	_ =	sdelay $0x2  }
0x3e: {  	p0 =	sne.s32 s15, $0x9E00;
	v1 =	vld.idx.msk [tilespmem:v1+s10+$0x0], $0xffff  }
.Ltmp1:
0x3f: {  	_ = 	snop;
	(pc) =	sbr.rel @p0 .LBB2_4-.Ltmp1, $2  }
0x40: {  	_ =	sdelay $0x2  }
0x41: {  	s15 =	sadd.s32 $0x200, s15;
	[tilespmem:v2+s11+$0x0] =	vst.idx.add.f32.msk $0xffff, v1  }
0x42: {  	s14 =	sadd.s32 $0x1, s14  }
0x43: {  	p0 =	sne.s32 s14, s7  }
.Ltmp2:
0x44: {  	_ = 	snop;
	(pc) =	sbr.rel @p0 .LBB2_1-.Ltmp2, $4  }
0x45: {  	[hbm4b:s6+s12] =	stream.strided.scatter [tilespmem:s11], [sflag:$0x1], $0x2800, s13, s12, $0x38;
	[tilespmem:$0xA000] =	vst v63  }
0x46: {  	_ =	swait.ge [sflag:s8], $0x2800  }
0x47: {  	[sflag:s8] =	ssyncset.done $0x0  }
0x48: {  	[sflag:s8] =	ssyncadd.s32 $0xFFFFD800  }
0x49: {  	_ =	sfence.sel $0x180000  }
0x4a: {  	[bflag:$0x0] =	sbarrier.arrive $0xFFFF  }
0x4b: {  	p0 =	sne.s32 s0, $0x0;
	_ =	strace $0x9000004D  }
0x4c: {  	s0 =	sadd.s32 @!p0 $0x100000, s1;
	[bflag:$0x2] =	sbarrier.arrive $0xFFFF  }
0x4d: {  	[sflag:s0] =	ssyncadd.tile.s32 @!p0 $0x1;
	_ =	shalt  }
.Lfunc_end2:
_tile_overlayer_lowered:
.L_overlay_start_2:
0x4e: {  	(tag) =	ssettag $0x2  }
0x4f: {  	s0 =	rddreg [dreg:$0x0];
	s2 =	stileid.u32  }
0x50: {  	s1 =	rddreg [dreg:$0x1];
	p0 =	sne.s32 s2, $0x0  }
0x51: {  	s3 =	rddreg [dreg:$0x2];
	[bflag:$0x3] =	sbarrier.arrive $0xFFFF;
	s2 =	simm.s32 @!p0 $0x1C01  }
0x52: {  	[timem:s3], [sflag:s2] =	dma.local @!p0 [hbm:s0], s1  }
0x53: {  	s0 =	simm.s32 @!p0 $0x1  }
0x54: {  	_ =	swait.ge @!p0 [sflag:s0], s1  }
0x55: {  	s1 =	ssub.s32 @!p0 $0x0, s1;
	[sflag:s0] =	ssyncset.done @!p0 $0x0  }
0x56: {  	[sflag:s0] =	ssyncadd.s32 @!p0 s1  }
0x57: {  	[bflag:$0x3] =	sbarrier.arrive $0xFFFF  }
0x58: {  	_ =	shalt  }

// kernel: kernel.8.cloned.1.call-start
scs
__scs_entry_jumppad:
0x0: {  	(pc) =	sbr.rel $0x88, $3  }
0x1: {  	(tag) =	ssettag $0x0;
	lr =	simm.s32 $0x1  }
0x2: {  	[smem:$0x3F9B] =	sst lr;
	_ =	strace $0xD0000000  }
0x3: {  	_ = 	snop  }
0x4: {  	_ = 	snop  }
0x5: {  	_ = 	snop  }
0x6: {  	_ = 	snop  }
0x7: {  	_ = 	snop  }
__scs_overlays_trampoline_lowered:
0x8: {  	[smem:$0x3FAA] =	sst s0  }
0x9: {  	[smem:$0x3FAB] =	sst s1  }
0xa: {  	[smem:$0x3FAC] =	sst s2  }
0xb: {  	[smem:$0x3FAD] =	sst s3  }
0xc: {  	[smem:$0x3FAE] =	sst s4  }
0xd: {  	[smem:$0x3FAF] =	sst s5  }
0xe: {  	[smem:$0x3FB0] =	sst s6  }
0xf: {  	[smem:$0x3FB1] =	sst s7  }
0x10: {  	[smem:$0x3FB2] =	sst s8  }
0x11: {  	[smem:$0x3FB3] =	sst s9;
	s0 =	simm.s32 @!p0 $0x0  }
0x12: {  	s1 =	sld [smem:$0x3F99];
	s0 =	simm.s32 @p0 $0x1  }
0x13: {  	[smem:$0x3FB4] =	sst s0;
	s0 =	simm.s32 @!p1 $0x0  }
0x14: {  	s2 =	sld [smem:$0x3F98];
	s0 =	simm.s32 @p1 $0x1  }
0x15: {  	[smem:$0x3FB5] =	sst s0;
	s0 =	simm.s32 @!p2 $0x0  }
0x16: {  	s3 =	sld [smem:$0x3FDB];
	s0 =	simm.s32 @p2 $0x1  }
0x17: {  	s4 =	simm.s32 $0x1BF5;
	[smem:$0x3FB7] =	sst s0  }
0x18: {  	s0 =	sld [smem:$0x3F9A];
	_ =	swait.ge [sflag:s4], $0x0  }
0x19: {  	s7 =	sld [smem:$0x3F9B]  }
0x1a: {  	s8 =	sadd.s32 $0xFFFFE003, lr  }
0x1b: {  	s9 =	sadd.s32 $0xFFFFFEF7, lr;
	s5 =	simm.s32 $0xFFFFFFFF;
	p2 =	slt.u32 s8, $0xFFFFF086  }
0x1c: {  	p1 =	slt.u32 s9, $0xF7A;
	s5 =	simm.s32 @!p2 $0x0  }
0x1d: {  	s5 =	simm.s32 @p1 $0x1;
	p0 =	seq.s32 s7, s2  }
0x1e: {  	s7 =	smul.u32 @!p0 $0xF7A, s2;
	p2 =	seq.s32 @!p0 s5, $0x0  }
0x1f: {  	s9 =	smul.u32 $0xF7A, s1;
	s8 =	simm.s32 @!p0 $0x1BF5;
	p2 =	por !p2, p0  }
0x20: {  	[sflag:s8] =	ssyncset.s32 @!p0 $0xFFFFF086;
	s6 =	sadd.s32 @!p0 s3, s7;
	s7 =	simm.s32 @!p0 $0x108  }
0x21: {  	s3 =	sadd.s32 s3, s9;
	s6 =	sadd.s32 @!p0 $0x88, s6;
	s7 =	simm.s32 @p2 $0x1082  }
0x22: {  	[simem:s7], [sflag:s8] =	dma.local @!p0 [hbm:s6], $0xF7A  }
0x23: {  	s9 =	sor.u32 $0xD0000000, s2;
	s6 =	simm.s32 $0x108;
	_ =	swait.ge @!p0 [sflag:s8], $0x0  }
0x24: {  	s3 =	sadd.s32 $0x88, s3;
	s6 =	simm.s32 @!p1 $0x1082;
	[sflag:s4] =	ssyncset.s32 $0xFFFFF086  }
0x25: {  	[simem:s6], [sflag:s4] =	dma.local [hbm:s3], $0xF7A  }
0x26: {  	[smem:$0x3F9B] =	sst s1;
	(tag) =	ssettag s2;
	_ =	strace s9  }
0x27: {  	s1 =	sld [smem:$0x3FAB]  }
0x28: {  	s2 =	sld [smem:$0x3FAC]  }
0x29: {  	s4 =	sld [smem:$0x3FAE]  }
0x2a: {  	p0 =	seq.s32 s5, $0x0;
	s5 =	sld [smem:$0x3FAF]  }
0x2b: {  	s6 =	sld [smem:$0x3FB0]  }
0x2c: {  	s7 =	sld [smem:$0x3FB1]  }
0x2d: {  	s3 =	simm.s32 $0x108;
	s8 =	sld [smem:$0x3FB2]  }
0x2e: {  	s3 =	simm.s32 @!p0 $0x1082;
	s9 =	sld [smem:$0x3FB3]  }
0x2f: {  	lr =	sadd.s32 s0, s3;
	s0 =	sld [smem:$0x3FAA]  }
0x30: {  	s3 =	sld [smem:$0x3FAD]  }
0x31: {  	[smem:$0x3FB6] =	sst s10  }
0x32: {  	s10 =	sld [smem:$0x3FB4];
	_ =	sdelay $0x3  }
0x33: {  	p0 =	seq.s32 s10, $0x1;
	s10 =	sld [smem:$0x3FB6];
	_ =	sdelay $0x3  }
0x34: {  	[smem:$0x3FB6] =	sst s10  }
0x35: {  	s10 =	sld [smem:$0x3FB5];
	_ =	sdelay $0x3  }
0x36: {  	p1 =	seq.s32 s10, $0x1;
	s10 =	sld [smem:$0x3FB6];
	_ =	sdelay $0x3  }
0x37: {  	[smem:$0x3FB6] =	sst s10  }
0x38: {  	s10 =	sld [smem:$0x3FB7]  }
0x39: {  	_ = 	snop;
	(pc) =	sbr.ind lr, $3  }
0x3a: {  	_ = 	snop  }
0x3b: {  	_ = 	snop  }
0x3c: {  	p2 =	seq.s32 s10, $0x1;
	s10 =	sld [smem:$0x3FB6]  }
0x3d: {  	_ =	shalt  }
0x3e: {  	_ =	shalt  }
0x3f: {  	_ =	shalt  }
0x40: {  	_ =	shalt  }
0x41: {  	_ =	shalt  }
0x42: {  	_ =	shalt  }
0x43: {  	_ =	shalt  }
0x44: {  	_ =	shalt  }
0x45: {  	_ =	shalt  }
0x46: {  	_ =	shalt  }
0x47: {  	_ =	shalt  }
0x48: {  	_ =	shalt  }
0x49: {  	_ =	shalt  }
0x4a: {  	_ =	shalt  }
0x4b: {  	_ =	shalt  }
0x4c: {  	_ =	shalt  }
0x4d: {  	_ =	shalt  }
0x4e: {  	_ =	shalt  }
0x4f: {  	_ =	shalt  }
0x50: {  	_ =	shalt  }
0x51: {  	_ =	shalt  }
0x52: {  	_ =	shalt  }
0x53: {  	_ =	shalt  }
0x54: {  	_ =	shalt  }
0x55: {  	_ =	shalt  }
0x56: {  	_ =	shalt  }
0x57: {  	_ =	shalt  }
0x58: {  	_ =	shalt  }
0x59: {  	_ =	shalt  }
0x5a: {  	_ =	shalt  }
0x5b: {  	_ =	shalt  }
0x5c: {  	_ =	shalt  }
0x5d: {  	_ =	shalt  }
0x5e: {  	_ =	shalt  }
0x5f: {  	_ =	shalt  }
0x60: {  	_ =	shalt  }
0x61: {  	_ =	shalt  }
0x62: {  	_ =	shalt  }
0x63: {  	_ =	shalt  }
0x64: {  	_ =	shalt  }
0x65: {  	_ =	shalt  }
0x66: {  	_ =	shalt  }
0x67: {  	_ =	shalt  }
0x68: {  	_ =	shalt  }
0x69: {  	_ =	shalt  }
0x6a: {  	_ =	shalt  }
0x6b: {  	_ =	shalt  }
0x6c: {  	_ =	shalt  }
0x6d: {  	_ =	shalt  }
0x6e: {  	_ =	shalt  }
0x6f: {  	_ =	shalt  }
0x70: {  	_ =	shalt  }
0x71: {  	_ =	shalt  }
0x72: {  	_ =	shalt  }
0x73: {  	_ =	shalt  }
0x74: {  	_ =	shalt  }
0x75: {  	_ =	shalt  }
0x76: {  	_ =	shalt  }
0x77: {  	_ =	shalt  }
0x78: {  	_ =	shalt  }
0x79: {  	_ =	shalt  }
0x7a: {  	_ =	shalt  }
0x7b: {  	_ =	shalt  }
0x7c: {  	_ =	shalt  }
0x7d: {  	_ =	shalt  }
0x7e: {  	_ =	shalt  }
0x7f: {  	_ =	shalt  }
0x80: {  	_ =	shalt  }
0x81: {  	_ =	shalt  }
0x82: {  	_ =	shalt  }
0x83: {  	_ =	shalt  }
0x84: {  	_ =	shalt  }
0x85: {  	_ =	shalt  }
0x86: {  	_ =	shalt  }
0x87: {  	_ =	shalt  }
.Lfunc_end0:
.L_simem_size_0:
called_computation_lowered:
.L_overlay_start_0:
0x88: {  	s2 =	sld [smem:$0x3FD9]  }
0x89: {  	s3 =	sld [smem:$0x3FFE];
	_ =	sdelay $0x1  }
0x8a: {  	s1 =	srdreg.scid  }
0x8b: {  	s0 =	sand.u32 $0x1, s1  }
0x8c: {  	s16 =	sshll.u32 s0, $0xA;
	s2 =	sadd.s32 s3, s2  }
0x8d: {  	s2 =	sadd.s32 s2, s16  }
0x8e: {  	[smem:$0x3FC2] =	sst s2  }
0x8f: {  	_ = 	snop  }
0x90: {  	(tm) =	ssettm $0x1  }
0x91: {  	s17 =	sld [smem:$0x3FFB];
	_ =	sdelay $0x3  }
0x92: {  	_ =	strace s17  }
0x93: {  	s2 =	sld [smem:$0x3FFC];
	_ =	sdelay $0x3  }
0x94: {  	_ =	strace s2  }
0x95: {  	s2 =	sld [smem:$0x3FFD];
	_ =	sdelay $0x3  }
0x96: {  	_ =	strace s2  }
0x97: {  	_ =	strace $0x8FFFFFFF  }
0x98: {  	s18 =	sld [smem:$0x3FDB];
	_ =	sdelay $0x1  }
0x99: {  	s19 =	simm.s32 $_scs_section_size  }
0x9a: {  	s4 =	simm.s32 $_size__tile_overlayer_lowered;
	s5 =	simm.s32 $_tile_overlayer_lowered  }
0x9b: {  	s22 =	simm.s32 $0x1BFF;
	s21 =	sshll.u32 s5, $0x1;
	s2 =	sadd.s32 s19, s18  }
0x9c: {  	s6 =	simm.s32 $0x0;
	s20 =	sshll.u32 s4, $0x1;
	s4 =	sadd.s32 s21, s2  }
0x9d: {  	[timem:s6], [sflag:s22] =	dma.local [hbm:s4], s20  }
0x9e: {  	_ =	swait.ge [sflag:s22], s20  }
0x9f: {  	s3 =	ssub.s32 $0x0, s20;
	[sflag:s22] =	ssyncset.done $0x0  }
0xa0: {  	[sflag:s22] =	ssyncadd.s32 s3;
	_ =	sdelay $0x1  }
0xa1: {  	s23 =	simm.s32 $0x1B8B  }
0xa2: {  	_ =	swait.ge [sflag:s23], $0x1  }
0xa3: {  	[sflag:s23] =	ssyncset.done $0x0  }
0xa4: {  	s25 =	simm.s32 $0x1B8E;
	s24 =	sld [smem:$0x3FFE];
	[sflag:s23] =	ssyncadd.s32 $0xFFFFFFFF  }
0xa5: {  	s26 =	simm.s32 $execute0_lowered;
	[smem:$0x3FD2] =	sst s25  }
0xa6: {  	s4 =	sshll.u32 s26, $0x1;
	_ =	strace $0x80000046;
	[dreg:$0x1] =	wrdreg $0xFFFFFFFF  }
0xa7: {  	s28 =	simm.s32 $_size_execute0_lowered;
	s2 =	sadd.s32 s2, s4;
	[dreg:$0x0] =	wrdreg $0x0  }
0xa8: {  	s4 =	sshll.u32 s28, $0x1;
	[dreg:$0x2] =	wrdreg s2  }
0xa9: {  	[dreg:$0x3] =	wrdreg s4  }
0xaa: {  	[dreg:$0x4] =	wrdreg $0xC0  }
0xab: {  	_ =	task [dreg:s6], $0x5FFFF  }
0xac: {  	[dreg:$0x1] =	wrdreg $0xFFFFFFFF  }
0xad: {  	[dreg:$0x0] =	wrdreg $0x60  }
0xae: {  	[dreg:$0x2] =	wrdreg s24  }
0xaf: {  	[dreg:$0x3] =	wrdreg $0x9  }
0xb0: {  	_ =	task.clear_ibuf [dreg:s6], $0x4FFFF;
	_ =	strace $0x90000046  }
0xb1: {  	s29 =	simm.s32 $0x9;
	_ =	strace $0x80000048  }
0xb2: {  	_ =	swait.ge [sflag:s29], $0x1  }
0xb3: {  	[sflag:s29] =	ssyncadd.s32 $0xFFFFFFFF  }
0xb4: {  	_ =	strace $0x90000048  }
0xb5: {  	_ =	sfence  }
0xb6: {  	s30 =	sld [smem:$0x0];
	_ =	sdelay $0x2  }
0xb7: {  	s31 =	sshll.u32 s1, $0xD;
	s1 =	sshrl.u32 s1, $0x2  }
0xb8: {  	s3 =	sand.u32 $0x4000, s31;
	s1 =	sadd.s32 s1, s30  }
0xb9: {  	s0 =	sor.u32 s3, s0;
	s1 =	sshll.u32 s1, $0x11  }
0xba: {  	s0 =	sor.u32 s1, s0  }
0xbb: {  	s0 =	sadd.s32 $0x8F2B, s0  }
0xbc: {  	[sflag:s0] =	ssyncadd.remote.s32 $0x1  }
0xbd: {  	_ =	sfence.sel $0xFFFF  }
0xbe: {  	[dreg:$0x0] =	wrdreg $0xFFFFFFFF;
	(pc) =	sbr.abs _section_cstart, $3  }
0xbf: {  	[dreg:$0x1] =	wrdreg $0xFFFFFFFF  }
0xc0: {  	_ =	task.clear_ibuf [dreg:s6], $0x2FFFF;
	_ =	strace $0x9FFFFFFF  }
0xc1: {  	(tm) =	ssettm $0x7FFFFFFF  }
tec
execute0_lowered:
.L_overlay_start_1:
0x0: {  	(tag) =	ssettag $0x1  }
0x1: {  	s0 =	srdreg.scid  }
0x2: {  	s5 =	rddreg [dreg:$0x0];
	s3 =	sand.u32 $0x1, s0  }
0x3: {  	s2 =	simm.s32 $0x0;
	s0 =	stileid.u32;
	s1 =	sshll.u32 s3, $0x4  }
0x4: {  	s8 =	simm.s32 $0x80;
	s9 =	simm.s32 $0x400;
	s4 =	sor.u32 s0, s1  }
0x5: {  	s10 =	simm.s32 $0x0;
	[smem:$0x7FF] =	sst s2;
	s1 =	sshrl.u32 s4, $0x3  }
0x6: {  	s7 =	sshll.u32 s0, $0x7;
	s3 =	ssub.s32 $0x2, s3;
	s6 =	smul.u32 $0x14000, s1  }
0x7: {  	s7 =	sand.u32 $0x380, s7;
	s31 =	sshrl.u32 s3, $0x1;
	s4 =	smul.u32 $0x500, s4  }
0x8: {  	s1 =	rddreg [dreg:$0x1];
	_ =	strace $0x80000047;
	s6 =	sor.u32 s7, s6  }
0x9: {  	s4 =	sadd.s32 s4, s5;
	s7 =	simm.s32 $0x2800;
	s6 =	sshrl.u32 s6, $0x3  }
0xa: {  	s5 =	sadd.s32 s6, s5;
	s6 =	ssub.s32 s3, s31;
	s3 =	sadd.s32 $0x2400, s4  }
0xb: {  	v0 =	vimm.f32 $0.0e+00;
	v1 =	vimm.f32 $1.000000000e+00;
	s4 =	sadd.s32 $0x16400, s5;
	s5 =	smax.u32 s6, $0x1;
	s6 =	simm.s32 $0x1  }
.LBB2_1:
0xc: {  	[tilespmem:s2], [sflag:$0x1] =	stream.linear.gather [hbm4b:s3+s2], $0x2800, $0x38;
	[tilespmem:$0x5000] =	vst v63  }
0xd: {  	_ =	swait.ge [sflag:s6], $0x2800  }
0xe: {  	[sflag:s6] =	ssyncset.done $0x0  }
0xf: {  	s11 =	simm.s32 $0x0;
	[sflag:s6] =	ssyncadd.s32 $0xFFFFD800  }
.LBB2_2:
0x10: {  	p0 =	sne.s32 s11, $0x9FC0  }
.Ltmp0:
0x11: {  	_ = 	snop;
	(pc) =	sbr.rel @p0 .LBB2_2-.Ltmp0, $3  }
0x12: {  	_ =	sdelay $0x1  }
0x13: {  	s12 =	sshra.s32 s11, $0x2  }
0x14: {  	s11 =	sadd.s32 $0x40, s11;
	[tilespmem:s12+$0x2800] =	vst v0  }
0x15: {  	s11 =	simm.s32 $0x0  }
.LBB2_4:
0x16: {  	s12 =	sshra.s32 s11, $0x2  }
0x17: {  	v2 =	vld [tilespmem:s12+$0x0];
	_ =	sdelay $0x7  }
0x18: {  	[tilespmem:v2+s7+$0x0] =	vst.idx.add.f32.msk $0xffff, v1  }
0x19: {  	v2 =	vld [tilespmem:s12+$0x10];
	_ =	sdelay $0x7  }
0x1a: {  	[tilespmem:v2+s7+$0x0] =	vst.idx.add.f32.msk $0xffff, v1  }
0x1b: {  	v2 =	vld [tilespmem:s12+$0x20];
	_ =	sdelay $0x7  }
0x1c: {  	[tilespmem:v2+s7+$0x0] =	vst.idx.add.f32.msk $0xffff, v1  }
0x1d: {  	v2 =	vld [tilespmem:s12+$0x30];
	_ =	sdelay $0x7  }
0x1e: {  	[tilespmem:v2+s7+$0x0] =	vst.idx.add.f32.msk $0xffff, v1  }
0x1f: {  	v2 =	vld [tilespmem:s12+$0x40];
	_ =	sdelay $0x7  }
0x20: {  	[tilespmem:v2+s7+$0x0] =	vst.idx.add.f32.msk $0xffff, v1  }
0x21: {  	v2 =	vld [tilespmem:s12+$0x50];
	_ =	sdelay $0x7  }
0x22: {  	[tilespmem:v2+s7+$0x0] =	vst.idx.add.f32.msk $0xffff, v1  }
0x23: {  	v2 =	vld [tilespmem:s12+$0x60];
	_ =	sdelay $0x7  }
0x24: {  	[tilespmem:v2+s7+$0x0] =	vst.idx.add.f32.msk $0xffff, v1  }
0x25: {  	v2 =	vld [tilespmem:s12+$0x70];
	_ =	sdelay $0x2  }
0x26: {  	p0 =	sne.s32 s11, $0x9E00  }
.Ltmp1:
0x27: {  	_ = 	snop;
	(pc) =	sbr.rel @p0 .LBB2_4-.Ltmp1, $2  }
0x28: {  	_ =	sdelay $0x2  }
0x29: {  	s11 =	sadd.s32 $0x200, s11;
	[tilespmem:v2+s7+$0x0] =	vst.idx.add.f32.msk $0xffff, v1  }
0x2a: {  	s10 =	sadd.s32 $0x1, s10  }
0x2b: {  	p0 =	sne.s32 s10, s5  }
.Ltmp2:
0x2c: {  	_ = 	snop;
	(pc) =	sbr.rel @p0 .LBB2_1-.Ltmp2, $4  }
0x2d: {  	[hbm4b:s4+s8] =	stream.strided.scatter [tilespmem:s7], [sflag:$0x1], $0x2800, s9, s8, $0x38;
	[tilespmem:$0x5000] =	vst v63  }
0x2e: {  	_ =	swait.ge [sflag:s6], $0x2800  }
0x2f: {  	[sflag:s6] =	ssyncset.done $0x0  }
0x30: {  	[sflag:s6] =	ssyncadd.s32 $0xFFFFD800  }
0x31: {  	_ =	sfence.sel $0x180000  }
0x32: {  	[bflag:$0x0] =	sbarrier.arrive $0xFFFF  }
0x33: {  	p0 =	sne.s32 s0, $0x0;
	_ =	strace $0x90000047  }
0x34: {  	s0 =	sadd.s32 @!p0 $0x100000, s1;
	[bflag:$0x2] =	sbarrier.arrive $0xFFFF  }
0x35: {  	[sflag:s0] =	ssyncadd.tile.s32 @!p0 $0x1;
	_ =	shalt  }
.Lfunc_end2:
_tile_overlayer_lowered:
.L_overlay_start_2:
0x36: {  	(tag) =	ssettag $0x2  }
0x37: {  	s0 =	rddreg [dreg:$0x0];
	s2 =	stileid.u32  }
0x38: {  	s1 =	rddreg [dreg:$0x1];
	p0 =	sne.s32 s2, $0x0  }
0x39: {  	s3 =	rddreg [dreg:$0x2];
	[bflag:$0x3] =	sbarrier.arrive $0xFFFF;
	s2 =	simm.s32 @!p0 $0x1C01  }
0x3a: {  	[timem:s3], [sflag:s2] =	dma.local @!p0 [hbm:s0], s1  }
0x3b: {  	s0 =	simm.s32 @!p0 $0x1  }
0x3c: {  	_ =	swait.ge @!p0 [sflag:s0], s1  }
0x3d: {  	s1 =	ssub.s32 @!p0 $0x0, s1;
	[sflag:s0] =	ssyncset.done @!p0 $0x0  }
0x3e: {  	[sflag:s0] =	ssyncadd.s32 @!p0 s1  }
0x3f: {  	[bflag:$0x3] =	sbarrier.arrive $0xFFFF  }
0x40: {  	_ =	shalt  }

</sc_bundles>
